<compile_context>
chip_gen: v7x
topology: tpu7x:2x2x1
jax: 0.10.2.dev20260603
libtpu: 0.0.44.dev20260713+nightly
codegen_flags: <defaults>
</compile_context>

<pallas_src>
import functools

import jax
import jax.numpy as jnp
from jax import lax
from jax.experimental import pallas as pl
from jax.experimental.pallas import tpu as pltpu
from jax.experimental.pallas import tpu_sc as plsc

_D = 100
_P = 128
_NC = 2
_NS = 16
_NW = _NC * _NS
_CHUNK = 128
_NBUF = 5


def _gather_sc(x3, tpad):
    nchunks = x3.shape[1]
    mesh = plsc.VectorSubcoreMesh(core_axis_name="c", subcore_axis_name="s")

    @functools.partial(
        pl.kernel,
        out_type=jax.ShapeDtypeStruct((_NW, nchunks, _CHUNK, _P), jnp.float32),
        mesh=mesh,
        scratch_types=(
            [pltpu.VMEM((nchunks, _CHUNK), jnp.int32)]
            + [pltpu.VMEM((_CHUNK, _P), jnp.float32) for _ in range(_NBUF)]
            + [pltpu.SemaphoreType.DMA for _ in range(2 * _NBUF)]
        ),
        compiler_params=pltpu.CompilerParams(use_tc_tiling_on_sc=False),
    )
    def k(x_hbm, tbl_hbm, out_hbm, idx_v, *rest):
        bufs = rest[:_NBUF]
        gsem = rest[_NBUF:2 * _NBUF]
        osem = rest[2 * _NBUF:]
        wid = lax.axis_index("s") * _NC + lax.axis_index("c")
        pltpu.sync_copy(x_hbm.at[wid], idx_v)
        for b in range(_NBUF):
            pltpu.async_copy(tbl_hbm.at[idx_v.at[b]], bufs[b], gsem[b])

        @pl.loop(0, nchunks, step=_NBUF)
        def _(g):
            for b in range(_NBUF):
                cur = g + b
                pltpu.make_async_copy(
                    tbl_hbm.at[idx_v.at[cur]], bufs[b], gsem[b]).wait()
                pltpu.async_copy(bufs[b], out_hbm.at[wid, cur], osem[b])
                nxt = cur + _NBUF

                @pl.when(nxt < nchunks)
                def _():
                    pltpu.make_async_copy(
                        bufs[b], out_hbm.at[wid, cur], osem[b]).wait()
                    pltpu.async_copy(
                        tbl_hbm.at[idx_v.at[nxt]], bufs[b], gsem[b])

        for b in range(_NBUF):
            pltpu.make_async_copy(
                bufs[b], out_hbm.at[wid, 0], osem[b]).wait()

    return k(x3, tpad)


def kernel(X, table):
    n, m = X.shape
    total = n * m
    nchunks = total // (_NW * _CHUNK)
    x3 = X.reshape(_NW, nchunks, _CHUNK).astype(jnp.int32)
    tpad = jnp.pad(table.astype(jnp.float32), ((0, 0), (0, _P - _D)))
    out = _gather_sc(x3, tpad)
    return out.reshape(n, m, _P)[..., :_D]

# --- scband reference (transcript-rebuilt; emitter-appended) ---
"""Pipeline reference for scband-word2-vec-9509057593821 (READ-ONLY COPY).

The authoritative reference and input builder live on the scoring server;
editing this copy changes nothing except your own understanding.
"""

import jax, jax.numpy as jnp
import numpy as np

VOCAB = 100000
EMBED_DIM = 100

def setup_inputs(seed: int = 0) -> dict:
    key = jax.random.key(seed)
    k1, k2 = jax.random.split(key)
    X = jax.random.randint(k1, (4096, 200), 0, VOCAB, dtype=jnp.int64 if jax.config.jax_enable_x64 else jnp.int32)
    table = jax.random.normal(k2, (VOCAB, EMBED_DIM), dtype=jnp.float32) * 0.02
    return {"X": X, "table": table}

def reference(X, table):
    # Faithful translation of nn.Embedding.from_pretrained(...)(X)
    return jnp.take(table, X, axis=0)

if __name__ == "__main__":
    import jax
    _d = setup_inputs()
    print(jax.jit(kernel)(*tuple(_d.values())))

</pallas_src>

<mosaic_0001>
#map = affine_map<(d0, d1) -> (0, 0, 0)>
#map1 = affine_map<(d0, d1) -> (0, 0)>
#map2 = affine_map<(d0, d1) -> (0, 0, 0, 0)>
module attributes {stable_mosaic.version = 14 : i64} {
  func.func @k(%arg0: i32, %arg1: i32, %arg2: memref<32x200x128xi32, #tpu.memory_space<hbm>>, %arg3: memref<100000x128xf32, #tpu.memory_space<hbm>>, %arg4: memref<32x200x128x128xf32, #tpu.memory_space<hbm>>, %arg5: memref<200x128xi32, #tpu.memory_space<vmem>>, %arg6: memref<128x128xf32, #tpu.memory_space<vmem>>, %arg7: memref<128x128xf32, #tpu.memory_space<vmem>>, %arg8: memref<128x128xf32, #tpu.memory_space<vmem>>, %arg9: memref<128x128xf32, #tpu.memory_space<vmem>>, %arg10: memref<128x128xf32, #tpu.memory_space<vmem>>, %arg11: memref<!tpu.dma_semaphore, #tpu.memory_space<semaphore_mem>>, %arg12: memref<!tpu.dma_semaphore, #tpu.memory_space<semaphore_mem>>, %arg13: memref<!tpu.dma_semaphore, #tpu.memory_space<semaphore_mem>>, %arg14: memref<!tpu.dma_semaphore, #tpu.memory_space<semaphore_mem>>, %arg15: memref<!tpu.dma_semaphore, #tpu.memory_space<semaphore_mem>>, %arg16: memref<!tpu.dma_semaphore, #tpu.memory_space<semaphore_mem>>, %arg17: memref<!tpu.dma_semaphore, #tpu.memory_space<semaphore_mem>>, %arg18: memref<!tpu.dma_semaphore, #tpu.memory_space<semaphore_mem>>, %arg19: memref<!tpu.dma_semaphore, #tpu.memory_space<semaphore_mem>>, %arg20: memref<!tpu.dma_semaphore, #tpu.memory_space<semaphore_mem>>) attributes {dimension_semantics = [#tpu.dimension_semantics<core_parallel>, #tpu.dimension_semantics<subcore_parallel>], iteration_bounds = array<i64: 2, 16>, scalar_prefetch = 0 : i64, scratch_operands = 16 : i64, tpu.core_type = #tpu.core_type<sc_vector_subcore>, window_params = [{transform_indices = #map}, {transform_indices = #map1}, {transform_indices = #map2}]} {
    %mul3A = arith.constant 2 : i32
    %mul3A_0 = arith.muli %arg1, %mul3A : i32
    %add3A = arith.addi %mul3A_0, %arg0 : i32
    "tpu.region"() ({
      %run_scoped3A = tpu.sem_alloc : memref<!tpu.dma_semaphore, #tpu.memory_space<semaphore_mem>>
      %dma_start3A_83 = arith.constant 0 : i32
      %dma_start3A_84 = arith.constant 0 : i32
      %dma_start3A_85 = tpu.memref_slice %arg2[%add3A, %dma_start3A_83, %dma_start3A_84] : memref<32x200x128xi32, #tpu.memory_space<hbm>> -> memref<1x200x128xi32, #tpu.memory_space<hbm>>
      %dma_start3A_86 = tpu.memref_squeeze %dma_start3A_85 : memref<1x200x128xi32, #tpu.memory_space<hbm>> -> memref<200x128xi32, #tpu.memory_space<hbm>>
      %dma_start3A_87 = arith.constant 0 : i32
      %dma_start3A_88 = arith.constant 0 : i32
      %dma_start3A_89 = tpu.memref_slice %arg2[%add3A, %dma_start3A_87, %dma_start3A_88] : memref<32x200x128xi32, #tpu.memory_space<hbm>> -> memref<1x200x128xi32, #tpu.memory_space<hbm>>
      %dma_start3A_90 = tpu.memref_squeeze %dma_start3A_89 : memref<1x200x128xi32, #tpu.memory_space<hbm>> -> memref<200x128xi32, #tpu.memory_space<hbm>>
      tpu.enqueue_dma source(%dma_start3A_90 : memref<200x128xi32, #tpu.memory_space<hbm>>) target(%arg5 : memref<200x128xi32, #tpu.memory_space<vmem>>) target_semaphore(%run_scoped3A : memref<!tpu.dma_semaphore, #tpu.memory_space<semaphore_mem>>)
      %dma_wait3A_91 = arith.constant 0 : i32
      %dma_wait3A_92 = arith.constant 0 : i32
      %dma_wait3A_93 = tpu.memref_slice %arg2[%add3A, %dma_wait3A_91, %dma_wait3A_92] : memref<32x200x128xi32, #tpu.memory_space<hbm>> -> memref<1x200x128xi32, #tpu.memory_space<hbm>>
      %dma_wait3A_94 = tpu.memref_squeeze %dma_wait3A_93 : memref<1x200x128xi32, #tpu.memory_space<hbm>> -> memref<200x128xi32, #tpu.memory_space<hbm>>
      %dma_wait3A_95 = arith.constant 0 : i32
      %dma_wait3A_96 = arith.constant 0 : i32
      %dma_wait3A_97 = tpu.memref_slice %arg2[%add3A, %dma_wait3A_95, %dma_wait3A_96] : memref<32x200x128xi32, #tpu.memory_space<hbm>> -> memref<1x200x128xi32, #tpu.memory_space<hbm>>
      %dma_wait3A_98 = tpu.memref_squeeze %dma_wait3A_97 : memref<1x200x128xi32, #tpu.memory_space<hbm>> -> memref<200x128xi32, #tpu.memory_space<hbm>>
      tpu.wait_dma2 semaphore(%run_scoped3A : memref<!tpu.dma_semaphore, #tpu.memory_space<semaphore_mem>>) src(%dma_wait3A_98 : memref<200x128xi32, #tpu.memory_space<hbm>>) dst(%arg5 : memref<200x128xi32, #tpu.memory_space<vmem>>)
      tpu.yield
    }) : () -> ()
    %dma_start3A = arith.constant 0 : i32
    %dma_start3A_1 = arith.constant 0 : i32
    %dma_start3A_2 = tpu.memref_slice %arg5[%dma_start3A, %dma_start3A_1] : memref<200x128xi32, #tpu.memory_space<vmem>> -> memref<1x128xi32, #tpu.memory_space<vmem>>
    %dma_start3A_3 = tpu.memref_squeeze %dma_start3A_2 : memref<1x128xi32, #tpu.memory_space<vmem>> -> memref<128xi32, #tpu.memory_space<vmem>>
    %dma_start3A_4 = arith.constant 0 : i32
    %dma_start3A_5 = arith.constant 0 : i32
    %dma_start3A_6 = tpu.memref_slice %arg3[%dma_start3A_4, %dma_start3A_5] : memref<100000x128xf32, #tpu.memory_space<hbm>> -> memref<100000x128xf32, #tpu.memory_space<hbm>>
    tpu.enqueue_indirect_dma source(%dma_start3A_6 : memref<100000x128xf32, #tpu.memory_space<hbm>>) target(%arg6 : memref<128x128xf32, #tpu.memory_space<vmem>>) offsets(%dma_start3A_3 : memref<128xi32, #tpu.memory_space<vmem>>) semaphore(%arg11 : memref<!tpu.dma_semaphore, #tpu.memory_space<semaphore_mem>>)
    %dma_start3A_7 = arith.constant 1 : i32
    %dma_start3A_8 = arith.constant 0 : i32
    %dma_start3A_9 = tpu.memref_slice %arg5[%dma_start3A_7, %dma_start3A_8] : memref<200x128xi32, #tpu.memory_space<vmem>> -> memref<1x128xi32, #tpu.memory_space<vmem>>
    %dma_start3A_10 = tpu.memref_squeeze %dma_start3A_9 : memref<1x128xi32, #tpu.memory_space<vmem>> -> memref<128xi32, #tpu.memory_space<vmem>>
    %dma_start3A_11 = arith.constant 0 : i32
    %dma_start3A_12 = arith.constant 0 : i32
    %dma_start3A_13 = tpu.memref_slice %arg3[%dma_start3A_11, %dma_start3A_12] : memref<100000x128xf32, #tpu.memory_space<hbm>> -> memref<100000x128xf32, #tpu.memory_space<hbm>>
    tpu.enqueue_indirect_dma source(%dma_start3A_13 : memref<100000x128xf32, #tpu.memory_space<hbm>>) target(%arg7 : memref<128x128xf32, #tpu.memory_space<vmem>>) offsets(%dma_start3A_10 : memref<128xi32, #tpu.memory_space<vmem>>) semaphore(%arg12 : memref<!tpu.dma_semaphore, #tpu.memory_space<semaphore_mem>>)
    %dma_start3A_14 = arith.constant 2 : i32
    %dma_start3A_15 = arith.constant 0 : i32
    %dma_start3A_16 = tpu.memref_slice %arg5[%dma_start3A_14, %dma_start3A_15] : memref<200x128xi32, #tpu.memory_space<vmem>> -> memref<1x128xi32, #tpu.memory_space<vmem>>
    %dma_start3A_17 = tpu.memref_squeeze %dma_start3A_16 : memref<1x128xi32, #tpu.memory_space<vmem>> -> memref<128xi32, #tpu.memory_space<vmem>>
    %dma_start3A_18 = arith.constant 0 : i32
    %dma_start3A_19 = arith.constant 0 : i32
    %dma_start3A_20 = tpu.memref_slice %arg3[%dma_start3A_18, %dma_start3A_19] : memref<100000x128xf32, #tpu.memory_space<hbm>> -> memref<100000x128xf32, #tpu.memory_space<hbm>>
    tpu.enqueue_indirect_dma source(%dma_start3A_20 : memref<100000x128xf32, #tpu.memory_space<hbm>>) target(%arg8 : memref<128x128xf32, #tpu.memory_space<vmem>>) offsets(%dma_start3A_17 : memref<128xi32, #tpu.memory_space<vmem>>) semaphore(%arg13 : memref<!tpu.dma_semaphore, #tpu.memory_space<semaphore_mem>>)
    %dma_start3A_21 = arith.constant 3 : i32
    %dma_start3A_22 = arith.constant 0 : i32
    %dma_start3A_23 = tpu.memref_slice %arg5[%dma_start3A_21, %dma_start3A_22] : memref<200x128xi32, #tpu.memory_space<vmem>> -> memref<1x128xi32, #tpu.memory_space<vmem>>
    %dma_start3A_24 = tpu.memref_squeeze %dma_start3A_23 : memref<1x128xi32, #tpu.memory_space<vmem>> -> memref<128xi32, #tpu.memory_space<vmem>>
    %dma_start3A_25 = arith.constant 0 : i32
    %dma_start3A_26 = arith.constant 0 : i32
    %dma_start3A_27 = tpu.memref_slice %arg3[%dma_start3A_25, %dma_start3A_26] : memref<100000x128xf32, #tpu.memory_space<hbm>> -> memref<100000x128xf32, #tpu.memory_space<hbm>>
    tpu.enqueue_indirect_dma source(%dma_start3A_27 : memref<100000x128xf32, #tpu.memory_space<hbm>>) target(%arg9 : memref<128x128xf32, #tpu.memory_space<vmem>>) offsets(%dma_start3A_24 : memref<128xi32, #tpu.memory_space<vmem>>) semaphore(%arg14 : memref<!tpu.dma_semaphore, #tpu.memory_space<semaphore_mem>>)
    %dma_start3A_28 = arith.constant 4 : i32
    %dma_start3A_29 = arith.constant 0 : i32
    %dma_start3A_30 = tpu.memref_slice %arg5[%dma_start3A_28, %dma_start3A_29] : memref<200x128xi32, #tpu.memory_space<vmem>> -> memref<1x128xi32, #tpu.memory_space<vmem>>
    %dma_start3A_31 = tpu.memref_squeeze %dma_start3A_30 : memref<1x128xi32, #tpu.memory_space<vmem>> -> memref<128xi32, #tpu.memory_space<vmem>>
    %dma_start3A_32 = arith.constant 0 : i32
    %dma_start3A_33 = arith.constant 0 : i32
    %dma_start3A_34 = tpu.memref_slice %arg3[%dma_start3A_32, %dma_start3A_33] : memref<100000x128xf32, #tpu.memory_space<hbm>> -> memref<100000x128xf32, #tpu.memory_space<hbm>>
    tpu.enqueue_indirect_dma source(%dma_start3A_34 : memref<100000x128xf32, #tpu.memory_space<hbm>>) target(%arg10 : memref<128x128xf32, #tpu.memory_space<vmem>>) offsets(%dma_start3A_31 : memref<128xi32, #tpu.memory_space<vmem>>) semaphore(%arg15 : memref<!tpu.dma_semaphore, #tpu.memory_space<semaphore_mem>>)
    %scan3A = arith.constant 0 : i32
    %scan3A_35 = arith.constant 40 : i32
    %scan3A_36 = arith.addi %scan3A, %scan3A_35 : i32
    %scan3A_37 = arith.constant 1 : i32
    scf.for %scan3A_83 = %scan3A to %scan3A_36 step %scan3A_37  : i32 {
      %mul3A_84 = arith.constant 5 : i32
      %mul3A_85 = arith.muli %scan3A_83, %mul3A_84 : i32
      %add3A_86 = arith.constant 0 : i32
      %add3A_87 = arith.addi %add3A_86, %mul3A_85 : i32
      %add3A_88 = arith.constant 0 : i32
      %add3A_89 = arith.addi %add3A_87, %add3A_88 : i32
      %dma_wait3A_90 = arith.constant 0 : i32
      %dma_wait3A_91 = tpu.memref_slice %arg5[%add3A_89, %dma_wait3A_90] : memref<200x128xi32, #tpu.memory_space<vmem>> -> memref<1x128xi32, #tpu.memory_space<vmem>>
      %dma_wait3A_92 = tpu.memref_squeeze %dma_wait3A_91 : memref<1x128xi32, #tpu.memory_space<vmem>> -> memref<128xi32, #tpu.memory_space<vmem>>
      %dma_wait3A_93 = arith.constant 0 : i32
      %dma_wait3A_94 = arith.constant 0 : i32
      %dma_wait3A_95 = tpu.memref_slice %arg3[%dma_wait3A_93, %dma_wait3A_94] : memref<100000x128xf32, #tpu.memory_space<hbm>> -> memref<100000x128xf32, #tpu.memory_space<hbm>>
      tpu.wait_indirect_dma semaphore(%arg11 : memref<!tpu.dma_semaphore, #tpu.memory_space<semaphore_mem>>) src(%dma_wait3A_95 : memref<100000x128xf32, #tpu.memory_space<hbm>>) dst(%arg6 : memref<128x128xf32, #tpu.memory_space<vmem>>)
      %dma_start3A_96 = arith.constant 0 : i32
      %dma_start3A_97 = arith.constant 0 : i32
      %dma_start3A_98 = tpu.memref_slice %arg4[%add3A, %add3A_89, %dma_start3A_96, %dma_start3A_97] : memref<32x200x128x128xf32, #tpu.memory_space<hbm>> -> memref<1x1x128x128xf32, #tpu.memory_space<hbm>>
      %dma_start3A_99 = tpu.memref_squeeze %dma_start3A_98 : memref<1x1x128x128xf32, #tpu.memory_space<hbm>> -> memref<128x128xf32, #tpu.memory_space<hbm>>
      %dma_start3A_100 = arith.constant 0 : i32
      %dma_start3A_101 = arith.constant 0 : i32
      %dma_start3A_102 = tpu.memref_slice %arg4[%add3A, %add3A_89, %dma_start3A_100, %dma_start3A_101] : memref<32x200x128x128xf32, #tpu.memory_space<hbm>> -> memref<1x1x128x128xf32, #tpu.memory_space<hbm>>
      %dma_start3A_103 = tpu.memref_squeeze %dma_start3A_102 : memref<1x1x128x128xf32, #tpu.memory_space<hbm>> -> memref<128x128xf32, #tpu.memory_space<hbm>>
      tpu.enqueue_dma source(%arg6 : memref<128x128xf32, #tpu.memory_space<vmem>>) target(%dma_start3A_103 : memref<128x128xf32, #tpu.memory_space<hbm>>) target_semaphore(%arg16 : memref<!tpu.dma_semaphore, #tpu.memory_space<semaphore_mem>>)
      %add3A_104 = arith.constant 5 : i32
      %add3A_105 = arith.addi %add3A_89, %add3A_104 : i32
      %lt3A = arith.constant 200 : i32
      %lt3A_106 = arith.cmpi slt, %add3A_105, %lt3A : i32
      %convert_element_type3A = arith.extui %lt3A_106 : i1 to i32
      %cond3A = arith.constant 0 : i32
      %cond3A_107 = arith.cmpi ne, %convert_element_type3A, %cond3A : i32
      scf.if %cond3A_107 {
        %dma_wait3A_200 = arith.constant 0 : i32
        %dma_wait3A_201 = arith.constant 0 : i32
        %dma_wait3A_202 = tpu.memref_slice %arg4[%add3A, %add3A_89, %dma_wait3A_200, %dma_wait3A_201] : memref<32x200x128x128xf32, #tpu.memory_space<hbm>> -> memref<1x1x128x128xf32, #tpu.memory_space<hbm>>
        %dma_wait3A_203 = tpu.memref_squeeze %dma_wait3A_202 : memref<1x1x128x128xf32, #tpu.memory_space<hbm>> -> memref<128x128xf32, #tpu.memory_space<hbm>>
        %dma_wait3A_204 = arith.constant 0 : i32
        %dma_wait3A_205 = arith.constant 0 : i32
        %dma_wait3A_206 = tpu.memref_slice %arg4[%add3A, %add3A_89, %dma_wait3A_204, %dma_wait3A_205] : memref<32x200x128x128xf32, #tpu.memory_space<hbm>> -> memref<1x1x128x128xf32, #tpu.memory_space<hbm>>
        %dma_wait3A_207 = tpu.memref_squeeze %dma_wait3A_206 : memref<1x1x128x128xf32, #tpu.memory_space<hbm>> -> memref<128x128xf32, #tpu.memory_space<hbm>>
        tpu.wait_dma2 semaphore(%arg16 : memref<!tpu.dma_semaphore, #tpu.memory_space<semaphore_mem>>) src(%arg6 : memref<128x128xf32, #tpu.memory_space<vmem>>) dst(%dma_wait3A_207 : memref<128x128xf32, #tpu.memory_space<hbm>>)
        %dma_start3A_208 = arith.constant 0 : i32
        %dma_start3A_209 = tpu.memref_slice %arg5[%add3A_105, %dma_start3A_208] : memref<200x128xi32, #tpu.memory_space<vmem>> -> memref<1x128xi32, #tpu.memory_space<vmem>>
        %dma_start3A_210 = tpu.memref_squeeze %dma_start3A_209 : memref<1x128xi32, #tpu.memory_space<vmem>> -> memref<128xi32, #tpu.memory_space<vmem>>
        %dma_start3A_211 = arith.constant 0 : i32
        %dma_start3A_212 = arith.constant 0 : i32
        %dma_start3A_213 = tpu.memref_slice %arg3[%dma_start3A_211, %dma_start3A_212] : memref<100000x128xf32, #tpu.memory_space<hbm>> -> memref<100000x128xf32, #tpu.memory_space<hbm>>
        tpu.enqueue_indirect_dma source(%dma_start3A_213 : memref<100000x128xf32, #tpu.memory_space<hbm>>) target(%arg6 : memref<128x128xf32, #tpu.memory_space<vmem>>) offsets(%dma_start3A_210 : memref<128xi32, #tpu.memory_space<vmem>>) semaphore(%arg11 : memref<!tpu.dma_semaphore, #tpu.memory_space<semaphore_mem>>)
      } else {
      }
      %add3A_108 = arith.constant 1 : i32
      %add3A_109 = arith.addi %add3A_87, %add3A_108 : i32
      %dma_wait3A_110 = arith.constant 0 : i32
      %dma_wait3A_111 = tpu.memref_slice %arg5[%add3A_109, %dma_wait3A_110] : memref<200x128xi32, #tpu.memory_space<vmem>> -> memref<1x128xi32, #tpu.memory_space<vmem>>
      %dma_wait3A_112 = tpu.memref_squeeze %dma_wait3A_111 : memref<1x128xi32, #tpu.memory_space<vmem>> -> memref<128xi32, #tpu.memory_space<vmem>>
      %dma_wait3A_113 = arith.constant 0 : i32
      %dma_wait3A_114 = arith.constant 0 : i32
      %dma_wait3A_115 = tpu.memref_slice %arg3[%dma_wait3A_113, %dma_wait3A_114] : memref<100000x128xf32, #tpu.memory_space<hbm>> -> memref<100000x128xf32, #tpu.memory_space<hbm>>
      tpu.wait_indirect_dma semaphore(%arg12 : memref<!tpu.dma_semaphore, #tpu.memory_space<semaphore_mem>>) src(%dma_wait3A_115 : memref<100000x128xf32, #tpu.memory_space<hbm>>) dst(%arg7 : memref<128x128xf32, #tpu.memory_space<vmem>>)
      %dma_start3A_116 = arith.constant 0 : i32
      %dma_start3A_117 = arith.constant 0 : i32
      %dma_start3A_118 = tpu.memref_slice %arg4[%add3A, %add3A_109, %dma_start3A_116, %dma_start3A_117] : memref<32x200x128x128xf32, #tpu.memory_space<hbm>> -> memref<1x1x128x128xf32, #tpu.memory_space<hbm>>
      %dma_start3A_119 = tpu.memref_squeeze %dma_start3A_118 : memref<1x1x128x128xf32, #tpu.memory_space<hbm>> -> memref<128x128xf32, #tpu.memory_space<hbm>>
      %dma_start3A_120 = arith.constant 0 : i32
      %dma_start3A_121 = arith.constant 0 : i32
      %dma_start3A_122 = tpu.memref_slice %arg4[%add3A, %add3A_109, %dma_start3A_120, %dma_start3A_121] : memref<32x200x128x128xf32, #tpu.memory_space<hbm>> -> memref<1x1x128x128xf32, #tpu.memory_space<hbm>>
      %dma_start3A_123 = tpu.memref_squeeze %dma_start3A_122 : memref<1x1x128x128xf32, #tpu.memory_space<hbm>> -> memref<128x128xf32, #tpu.memory_space<hbm>>
      tpu.enqueue_dma source(%arg7 : memref<128x128xf32, #tpu.memory_space<vmem>>) target(%dma_start3A_123 : memref<128x128xf32, #tpu.memory_space<hbm>>) target_semaphore(%arg17 : memref<!tpu.dma_semaphore, #tpu.memory_space<semaphore_mem>>)
      %add3A_124 = arith.constant 5 : i32
      %add3A_125 = arith.addi %add3A_109, %add3A_124 : i32
      %lt3A_126 = arith.constant 200 : i32
      %lt3A_127 = arith.cmpi slt, %add3A_125, %lt3A_126 : i32
      %convert_element_type3A_128 = arith.extui %lt3A_127 : i1 to i32
      %cond3A_129 = arith.constant 0 : i32
      %cond3A_130 = arith.cmpi ne, %convert_element_type3A_128, %cond3A_129 : i32
      scf.if %cond3A_130 {
        %dma_wait3A_200 = arith.constant 0 : i32
        %dma_wait3A_201 = arith.constant 0 : i32
        %dma_wait3A_202 = tpu.memref_slice %arg4[%add3A, %add3A_109, %dma_wait3A_200, %dma_wait3A_201] : memref<32x200x128x128xf32, #tpu.memory_space<hbm>> -> memref<1x1x128x128xf32, #tpu.memory_space<hbm>>
        %dma_wait3A_203 = tpu.memref_squeeze %dma_wait3A_202 : memref<1x1x128x128xf32, #tpu.memory_space<hbm>> -> memref<128x128xf32, #tpu.memory_space<hbm>>
        %dma_wait3A_204 = arith.constant 0 : i32
        %dma_wait3A_205 = arith.constant 0 : i32
        %dma_wait3A_206 = tpu.memref_slice %arg4[%add3A, %add3A_109, %dma_wait3A_204, %dma_wait3A_205] : memref<32x200x128x128xf32, #tpu.memory_space<hbm>> -> memref<1x1x128x128xf32, #tpu.memory_space<hbm>>
        %dma_wait3A_207 = tpu.memref_squeeze %dma_wait3A_206 : memref<1x1x128x128xf32, #tpu.memory_space<hbm>> -> memref<128x128xf32, #tpu.memory_space<hbm>>
        tpu.wait_dma2 semaphore(%arg17 : memref<!tpu.dma_semaphore, #tpu.memory_space<semaphore_mem>>) src(%arg7 : memref<128x128xf32, #tpu.memory_space<vmem>>) dst(%dma_wait3A_207 : memref<128x128xf32, #tpu.memory_space<hbm>>)
        %dma_start3A_208 = arith.constant 0 : i32
        %dma_start3A_209 = tpu.memref_slice %arg5[%add3A_125, %dma_start3A_208] : memref<200x128xi32, #tpu.memory_space<vmem>> -> memref<1x128xi32, #tpu.memory_space<vmem>>
        %dma_start3A_210 = tpu.memref_squeeze %dma_start3A_209 : memref<1x128xi32, #tpu.memory_space<vmem>> -> memref<128xi32, #tpu.memory_space<vmem>>
        %dma_start3A_211 = arith.constant 0 : i32
        %dma_start3A_212 = arith.constant 0 : i32
        %dma_start3A_213 = tpu.memref_slice %arg3[%dma_start3A_211, %dma_start3A_212] : memref<100000x128xf32, #tpu.memory_space<hbm>> -> memref<100000x128xf32, #tpu.memory_space<hbm>>
        tpu.enqueue_indirect_dma source(%dma_start3A_213 : memref<100000x128xf32, #tpu.memory_space<hbm>>) target(%arg7 : memref<128x128xf32, #tpu.memory_space<vmem>>) offsets(%dma_start3A_210 : memref<128xi32, #tpu.memory_space<vmem>>) semaphore(%arg12 : memref<!tpu.dma_semaphore, #tpu.memory_space<semaphore_mem>>)
      } else {
      }
      %add3A_131 = arith.constant 2 : i32
      %add3A_132 = arith.addi %add3A_87, %add3A_131 : i32
      %dma_wait3A_133 = arith.constant 0 : i32
      %dma_wait3A_134 = tpu.memref_slice %arg5[%add3A_132, %dma_wait3A_133] : memref<200x128xi32, #tpu.memory_space<vmem>> -> memref<1x128xi32, #tpu.memory_space<vmem>>
      %dma_wait3A_135 = tpu.memref_squeeze %dma_wait3A_134 : memref<1x128xi32, #tpu.memory_space<vmem>> -> memref<128xi32, #tpu.memory_space<vmem>>
      %dma_wait3A_136 = arith.constant 0 : i32
      %dma_wait3A_137 = arith.constant 0 : i32
      %dma_wait3A_138 = tpu.memref_slice %arg3[%dma_wait3A_136, %dma_wait3A_137] : memref<100000x128xf32, #tpu.memory_space<hbm>> -> memref<100000x128xf32, #tpu.memory_space<hbm>>
      tpu.wait_indirect_dma semaphore(%arg13 : memref<!tpu.dma_semaphore, #tpu.memory_space<semaphore_mem>>) src(%dma_wait3A_138 : memref<100000x128xf32, #tpu.memory_space<hbm>>) dst(%arg8 : memref<128x128xf32, #tpu.memory_space<vmem>>)
      %dma_start3A_139 = arith.constant 0 : i32
      %dma_start3A_140 = arith.constant 0 : i32
      %dma_start3A_141 = tpu.memref_slice %arg4[%add3A, %add3A_132, %dma_start3A_139, %dma_start3A_140] : memref<32x200x128x128xf32, #tpu.memory_space<hbm>> -> memref<1x1x128x128xf32, #tpu.memory_space<hbm>>
      %dma_start3A_142 = tpu.memref_squeeze %dma_start3A_141 : memref<1x1x128x128xf32, #tpu.memory_space<hbm>> -> memref<128x128xf32, #tpu.memory_space<hbm>>
      %dma_start3A_143 = arith.constant 0 : i32
      %dma_start3A_144 = arith.constant 0 : i32
      %dma_start3A_145 = tpu.memref_slice %arg4[%add3A, %add3A_132, %dma_start3A_143, %dma_start3A_144] : memref<32x200x128x128xf32, #tpu.memory_space<hbm>> -> memref<1x1x128x128xf32, #tpu.memory_space<hbm>>
      %dma_start3A_146 = tpu.memref_squeeze %dma_start3A_145 : memref<1x1x128x128xf32, #tpu.memory_space<hbm>> -> memref<128x128xf32, #tpu.memory_space<hbm>>
      tpu.enqueue_dma source(%arg8 : memref<128x128xf32, #tpu.memory_space<vmem>>) target(%dma_start3A_146 : memref<128x128xf32, #tpu.memory_space<hbm>>) target_semaphore(%arg18 : memref<!tpu.dma_semaphore, #tpu.memory_space<semaphore_mem>>)
      %add3A_147 = arith.constant 5 : i32
      %add3A_148 = arith.addi %add3A_132, %add3A_147 : i32
      %lt3A_149 = arith.constant 200 : i32
      %lt3A_150 = arith.cmpi slt, %add3A_148, %lt3A_149 : i32
      %convert_element_type3A_151 = arith.extui %lt3A_150 : i1 to i32
      %cond3A_152 = arith.constant 0 : i32
      %cond3A_153 = arith.cmpi ne, %convert_element_type3A_151, %cond3A_152 : i32
      scf.if %cond3A_153 {
        %dma_wait3A_200 = arith.constant 0 : i32
        %dma_wait3A_201 = arith.constant 0 : i32
        %dma_wait3A_202 = tpu.memref_slice %arg4[%add3A, %add3A_132, %dma_wait3A_200, %dma_wait3A_201] : memref<32x200x128x128xf32, #tpu.memory_space<hbm>> -> memref<1x1x128x128xf32, #tpu.memory_space<hbm>>
        %dma_wait3A_203 = tpu.memref_squeeze %dma_wait3A_202 : memref<1x1x128x128xf32, #tpu.memory_space<hbm>> -> memref<128x128xf32, #tpu.memory_space<hbm>>
        %dma_wait3A_204 = arith.constant 0 : i32
        %dma_wait3A_205 = arith.constant 0 : i32
        %dma_wait3A_206 = tpu.memref_slice %arg4[%add3A, %add3A_132, %dma_wait3A_204, %dma_wait3A_205] : memref<32x200x128x128xf32, #tpu.memory_space<hbm>> -> memref<1x1x128x128xf32, #tpu.memory_space<hbm>>
        %dma_wait3A_207 = tpu.memref_squeeze %dma_wait3A_206 : memref<1x1x128x128xf32, #tpu.memory_space<hbm>> -> memref<128x128xf32, #tpu.memory_space<hbm>>
        tpu.wait_dma2 semaphore(%arg18 : memref<!tpu.dma_semaphore, #tpu.memory_space<semaphore_mem>>) src(%arg8 : memref<128x128xf32, #tpu.memory_space<vmem>>) dst(%dma_wait3A_207 : memref<128x128xf32, #tpu.memory_space<hbm>>)
        %dma_start3A_208 = arith.constant 0 : i32
        %dma_start3A_209 = tpu.memref_slice %arg5[%add3A_148, %dma_start3A_208] : memref<200x128xi32, #tpu.memory_space<vmem>> -> memref<1x128xi32, #tpu.memory_space<vmem>>
        %dma_start3A_210 = tpu.memref_squeeze %dma_start3A_209 : memref<1x128xi32, #tpu.memory_space<vmem>> -> memref<128xi32, #tpu.memory_space<vmem>>
        %dma_start3A_211 = arith.constant 0 : i32
        %dma_start3A_212 = arith.constant 0 : i32
        %dma_start3A_213 = tpu.memref_slice %arg3[%dma_start3A_211, %dma_start3A_212] : memref<100000x128xf32, #tpu.memory_space<hbm>> -> memref<100000x128xf32, #tpu.memory_space<hbm>>
        tpu.enqueue_indirect_dma source(%dma_start3A_213 : memref<100000x128xf32, #tpu.memory_space<hbm>>) target(%arg8 : memref<128x128xf32, #tpu.memory_space<vmem>>) offsets(%dma_start3A_210 : memref<128xi32, #tpu.memory_space<vmem>>) semaphore(%arg13 : memref<!tpu.dma_semaphore, #tpu.memory_space<semaphore_mem>>)
      } else {
      }
      %add3A_154 = arith.constant 3 : i32
      %add3A_155 = arith.addi %add3A_87, %add3A_154 : i32
      %dma_wait3A_156 = arith.constant 0 : i32
      %dma_wait3A_157 = tpu.memref_slice %arg5[%add3A_155, %dma_wait3A_156] : memref<200x128xi32, #tpu.memory_space<vmem>> -> memref<1x128xi32, #tpu.memory_space<vmem>>
      %dma_wait3A_158 = tpu.memref_squeeze %dma_wait3A_157 : memref<1x128xi32, #tpu.memory_space<vmem>> -> memref<128xi32, #tpu.memory_space<vmem>>
      %dma_wait3A_159 = arith.constant 0 : i32
      %dma_wait3A_160 = arith.constant 0 : i32
      %dma_wait3A_161 = tpu.memref_slice %arg3[%dma_wait3A_159, %dma_wait3A_160] : memref<100000x128xf32, #tpu.memory_space<hbm>> -> memref<100000x128xf32, #tpu.memory_space<hbm>>
      tpu.wait_indirect_dma semaphore(%arg14 : memref<!tpu.dma_semaphore, #tpu.memory_space<semaphore_mem>>) src(%dma_wait3A_161 : memref<100000x128xf32, #tpu.memory_space<hbm>>) dst(%arg9 : memref<128x128xf32, #tpu.memory_space<vmem>>)
      %dma_start3A_162 = arith.constant 0 : i32
      %dma_start3A_163 = arith.constant 0 : i32
      %dma_start3A_164 = tpu.memref_slice %arg4[%add3A, %add3A_155, %dma_start3A_162, %dma_start3A_163] : memref<32x200x128x128xf32, #tpu.memory_space<hbm>> -> memref<1x1x128x128xf32, #tpu.memory_space<hbm>>
      %dma_start3A_165 = tpu.memref_squeeze %dma_start3A_164 : memref<1x1x128x128xf32, #tpu.memory_space<hbm>> -> memref<128x128xf32, #tpu.memory_space<hbm>>
      %dma_start3A_166 = arith.constant 0 : i32
      %dma_start3A_167 = arith.constant 0 : i32
      %dma_start3A_168 = tpu.memref_slice %arg4[%add3A, %add3A_155, %dma_start3A_166, %dma_start3A_167] : memref<32x200x128x128xf32, #tpu.memory_space<hbm>> -> memref<1x1x128x128xf32, #tpu.memory_space<hbm>>
      %dma_start3A_169 = tpu.memref_squeeze %dma_start3A_168 : memref<1x1x128x128xf32, #tpu.memory_space<hbm>> -> memref<128x128xf32, #tpu.memory_space<hbm>>
      tpu.enqueue_dma source(%arg9 : memref<128x128xf32, #tpu.memory_space<vmem>>) target(%dma_start3A_169 : memref<128x128xf32, #tpu.memory_space<hbm>>) target_semaphore(%arg19 : memref<!tpu.dma_semaphore, #tpu.memory_space<semaphore_mem>>)
      %add3A_170 = arith.constant 5 : i32
      %add3A_171 = arith.addi %add3A_155, %add3A_170 : i32
      %lt3A_172 = arith.constant 200 : i32
      %lt3A_173 = arith.cmpi slt, %add3A_171, %lt3A_172 : i32
      %convert_element_type3A_174 = arith.extui %lt3A_173 : i1 to i32
      %cond3A_175 = arith.constant 0 : i32
      %cond3A_176 = arith.cmpi ne, %convert_element_type3A_174, %cond3A_175 : i32
      scf.if %cond3A_176 {
        %dma_wait3A_200 = arith.constant 0 : i32
        %dma_wait3A_201 = arith.constant 0 : i32
        %dma_wait3A_202 = tpu.memref_slice %arg4[%add3A, %add3A_155, %dma_wait3A_200, %dma_wait3A_201] : memref<32x200x128x128xf32, #tpu.memory_space<hbm>> -> memref<1x1x128x128xf32, #tpu.memory_space<hbm>>
        %dma_wait3A_203 = tpu.memref_squeeze %dma_wait3A_202 : memref<1x1x128x128xf32, #tpu.memory_space<hbm>> -> memref<128x128xf32, #tpu.memory_space<hbm>>
        %dma_wait3A_204 = arith.constant 0 : i32
        %dma_wait3A_205 = arith.constant 0 : i32
        %dma_wait3A_206 = tpu.memref_slice %arg4[%add3A, %add3A_155, %dma_wait3A_204, %dma_wait3A_205] : memref<32x200x128x128xf32, #tpu.memory_space<hbm>> -> memref<1x1x128x128xf32, #tpu.memory_space<hbm>>
        %dma_wait3A_207 = tpu.memref_squeeze %dma_wait3A_206 : memref<1x1x128x128xf32, #tpu.memory_space<hbm>> -> memref<128x128xf32, #tpu.memory_space<hbm>>
        tpu.wait_dma2 semaphore(%arg19 : memref<!tpu.dma_semaphore, #tpu.memory_space<semaphore_mem>>) src(%arg9 : memref<128x128xf32, #tpu.memory_space<vmem>>) dst(%dma_wait3A_207 : memref<128x128xf32, #tpu.memory_space<hbm>>)
        %dma_start3A_208 = arith.constant 0 : i32
        %dma_start3A_209 = tpu.memref_slice %arg5[%add3A_171, %dma_start3A_208] : memref<200x128xi32, #tpu.memory_space<vmem>> -> memref<1x128xi32, #tpu.memory_space<vmem>>
        %dma_start3A_210 = tpu.memref_squeeze %dma_start3A_209 : memref<1x128xi32, #tpu.memory_space<vmem>> -> memref<128xi32, #tpu.memory_space<vmem>>
        %dma_start3A_211 = arith.constant 0 : i32
        %dma_start3A_212 = arith.constant 0 : i32
        %dma_start3A_213 = tpu.memref_slice %arg3[%dma_start3A_211, %dma_start3A_212] : memref<100000x128xf32, #tpu.memory_space<hbm>> -> memref<100000x128xf32, #tpu.memory_space<hbm>>
        tpu.enqueue_indirect_dma source(%dma_start3A_213 : memref<100000x128xf32, #tpu.memory_space<hbm>>) target(%arg9 : memref<128x128xf32, #tpu.memory_space<vmem>>) offsets(%dma_start3A_210 : memref<128xi32, #tpu.memory_space<vmem>>) semaphore(%arg14 : memref<!tpu.dma_semaphore, #tpu.memory_space<semaphore_mem>>)
      } else {
      }
      %add3A_177 = arith.constant 4 : i32
      %add3A_178 = arith.addi %add3A_87, %add3A_177 : i32
      %dma_wait3A_179 = arith.constant 0 : i32
      %dma_wait3A_180 = tpu.memref_slice %arg5[%add3A_178, %dma_wait3A_179] : memref<200x128xi32, #tpu.memory_space<vmem>> -> memref<1x128xi32, #tpu.memory_space<vmem>>
      %dma_wait3A_181 = tpu.memref_squeeze %dma_wait3A_180 : memref<1x128xi32, #tpu.memory_space<vmem>> -> memref<128xi32, #tpu.memory_space<vmem>>
      %dma_wait3A_182 = arith.constant 0 : i32
      %dma_wait3A_183 = arith.constant 0 : i32
      %dma_wait3A_184 = tpu.memref_slice %arg3[%dma_wait3A_182, %dma_wait3A_183] : memref<100000x128xf32, #tpu.memory_space<hbm>> -> memref<100000x128xf32, #tpu.memory_space<hbm>>
      tpu.wait_indirect_dma semaphore(%arg15 : memref<!tpu.dma_semaphore, #tpu.memory_space<semaphore_mem>>) src(%dma_wait3A_184 : memref<100000x128xf32, #tpu.memory_space<hbm>>) dst(%arg10 : memref<128x128xf32, #tpu.memory_space<vmem>>)
      %dma_start3A_185 = arith.constant 0 : i32
      %dma_start3A_186 = arith.constant 0 : i32
      %dma_start3A_187 = tpu.memref_slice %arg4[%add3A, %add3A_178, %dma_start3A_185, %dma_start3A_186] : memref<32x200x128x128xf32, #tpu.memory_space<hbm>> -> memref<1x1x128x128xf32, #tpu.memory_space<hbm>>
      %dma_start3A_188 = tpu.memref_squeeze %dma_start3A_187 : memref<1x1x128x128xf32, #tpu.memory_space<hbm>> -> memref<128x128xf32, #tpu.memory_space<hbm>>
      %dma_start3A_189 = arith.constant 0 : i32
      %dma_start3A_190 = arith.constant 0 : i32
      %dma_start3A_191 = tpu.memref_slice %arg4[%add3A, %add3A_178, %dma_start3A_189, %dma_start3A_190] : memref<32x200x128x128xf32, #tpu.memory_space<hbm>> -> memref<1x1x128x128xf32, #tpu.memory_space<hbm>>
      %dma_start3A_192 = tpu.memref_squeeze %dma_start3A_191 : memref<1x1x128x128xf32, #tpu.memory_space<hbm>> -> memref<128x128xf32, #tpu.memory_space<hbm>>
      tpu.enqueue_dma source(%arg10 : memref<128x128xf32, #tpu.memory_space<vmem>>) target(%dma_start3A_192 : memref<128x128xf32, #tpu.memory_space<hbm>>) target_semaphore(%arg20 : memref<!tpu.dma_semaphore, #tpu.memory_space<semaphore_mem>>)
      %add3A_193 = arith.constant 5 : i32
      %add3A_194 = arith.addi %add3A_178, %add3A_193 : i32
      %lt3A_195 = arith.constant 200 : i32
      %lt3A_196 = arith.cmpi slt, %add3A_194, %lt3A_195 : i32
      %convert_element_type3A_197 = arith.extui %lt3A_196 : i1 to i32
      %cond3A_198 = arith.constant 0 : i32
      %cond3A_199 = arith.cmpi ne, %convert_element_type3A_197, %cond3A_198 : i32
      scf.if %cond3A_199 {
        %dma_wait3A_200 = arith.constant 0 : i32
        %dma_wait3A_201 = arith.constant 0 : i32
        %dma_wait3A_202 = tpu.memref_slice %arg4[%add3A, %add3A_178, %dma_wait3A_200, %dma_wait3A_201] : memref<32x200x128x128xf32, #tpu.memory_space<hbm>> -> memref<1x1x128x128xf32, #tpu.memory_space<hbm>>
        %dma_wait3A_203 = tpu.memref_squeeze %dma_wait3A_202 : memref<1x1x128x128xf32, #tpu.memory_space<hbm>> -> memref<128x128xf32, #tpu.memory_space<hbm>>
        %dma_wait3A_204 = arith.constant 0 : i32
        %dma_wait3A_205 = arith.constant 0 : i32
        %dma_wait3A_206 = tpu.memref_slice %arg4[%add3A, %add3A_178, %dma_wait3A_204, %dma_wait3A_205] : memref<32x200x128x128xf32, #tpu.memory_space<hbm>> -> memref<1x1x128x128xf32, #tpu.memory_space<hbm>>
        %dma_wait3A_207 = tpu.memref_squeeze %dma_wait3A_206 : memref<1x1x128x128xf32, #tpu.memory_space<hbm>> -> memref<128x128xf32, #tpu.memory_space<hbm>>
        tpu.wait_dma2 semaphore(%arg20 : memref<!tpu.dma_semaphore, #tpu.memory_space<semaphore_mem>>) src(%arg10 : memref<128x128xf32, #tpu.memory_space<vmem>>) dst(%dma_wait3A_207 : memref<128x128xf32, #tpu.memory_space<hbm>>)
        %dma_start3A_208 = arith.constant 0 : i32
        %dma_start3A_209 = tpu.memref_slice %arg5[%add3A_194, %dma_start3A_208] : memref<200x128xi32, #tpu.memory_space<vmem>> -> memref<1x128xi32, #tpu.memory_space<vmem>>
        %dma_start3A_210 = tpu.memref_squeeze %dma_start3A_209 : memref<1x128xi32, #tpu.memory_space<vmem>> -> memref<128xi32, #tpu.memory_space<vmem>>
        %dma_start3A_211 = arith.constant 0 : i32
        %dma_start3A_212 = arith.constant 0 : i32
        %dma_start3A_213 = tpu.memref_slice %arg3[%dma_start3A_211, %dma_start3A_212] : memref<100000x128xf32, #tpu.memory_space<hbm>> -> memref<100000x128xf32, #tpu.memory_space<hbm>>
        tpu.enqueue_indirect_dma source(%dma_start3A_213 : memref<100000x128xf32, #tpu.memory_space<hbm>>) target(%arg10 : memref<128x128xf32, #tpu.memory_space<vmem>>) offsets(%dma_start3A_210 : memref<128xi32, #tpu.memory_space<vmem>>) semaphore(%arg15 : memref<!tpu.dma_semaphore, #tpu.memory_space<semaphore_mem>>)
      } else {
      }
    }
    %scan3A_38 = arith.constant 40 : i32
    %dma_wait3A = arith.constant 0 : i32
    %dma_wait3A_39 = arith.constant 0 : i32
    %dma_wait3A_40 = arith.constant 0 : i32
    %dma_wait3A_41 = tpu.memref_slice %arg4[%add3A, %dma_wait3A, %dma_wait3A_39, %dma_wait3A_40] : memref<32x200x128x128xf32, #tpu.memory_space<hbm>> -> memref<1x1x128x128xf32, #tpu.memory_space<hbm>>
    %dma_wait3A_42 = tpu.memref_squeeze %dma_wait3A_41 : memref<1x1x128x128xf32, #tpu.memory_space<hbm>> -> memref<128x128xf32, #tpu.memory_space<hbm>>
    %dma_wait3A_43 = arith.constant 0 : i32
    %dma_wait3A_44 = arith.constant 0 : i32
    %dma_wait3A_45 = tpu.memref_slice %arg4[%add3A, %dma_wait3A, %dma_wait3A_43, %dma_wait3A_44] : memref<32x200x128x128xf32, #tpu.memory_space<hbm>> -> memref<1x1x128x128xf32, #tpu.memory_space<hbm>>
    %dma_wait3A_46 = tpu.memref_squeeze %dma_wait3A_45 : memref<1x1x128x128xf32, #tpu.memory_space<hbm>> -> memref<128x128xf32, #tpu.memory_space<hbm>>
    tpu.wait_dma2 semaphore(%arg16 : memref<!tpu.dma_semaphore, #tpu.memory_space<semaphore_mem>>) src(%arg6 : memref<128x128xf32, #tpu.memory_space<vmem>>) dst(%dma_wait3A_46 : memref<128x128xf32, #tpu.memory_space<hbm>>)
    %dma_wait3A_47 = arith.constant 0 : i32
    %dma_wait3A_48 = arith.constant 0 : i32
    %dma_wait3A_49 = arith.constant 0 : i32
    %dma_wait3A_50 = tpu.memref_slice %arg4[%add3A, %dma_wait3A_47, %dma_wait3A_48, %dma_wait3A_49] : memref<32x200x128x128xf32, #tpu.memory_space<hbm>> -> memref<1x1x128x128xf32, #tpu.memory_space<hbm>>
    %dma_wait3A_51 = tpu.memref_squeeze %dma_wait3A_50 : memref<1x1x128x128xf32, #tpu.memory_space<hbm>> -> memref<128x128xf32, #tpu.memory_space<hbm>>
    %dma_wait3A_52 = arith.constant 0 : i32
    %dma_wait3A_53 = arith.constant 0 : i32
    %dma_wait3A_54 = tpu.memref_slice %arg4[%add3A, %dma_wait3A_47, %dma_wait3A_52, %dma_wait3A_53] : memref<32x200x128x128xf32, #tpu.memory_space<hbm>> -> memref<1x1x128x128xf32, #tpu.memory_space<hbm>>
    %dma_wait3A_55 = tpu.memref_squeeze %dma_wait3A_54 : memref<1x1x128x128xf32, #tpu.memory_space<hbm>> -> memref<128x128xf32, #tpu.memory_space<hbm>>
    tpu.wait_dma2 semaphore(%arg17 : memref<!tpu.dma_semaphore, #tpu.memory_space<semaphore_mem>>) src(%arg7 : memref<128x128xf32, #tpu.memory_space<vmem>>) dst(%dma_wait3A_55 : memref<128x128xf32, #tpu.memory_space<hbm>>)
    %dma_wait3A_56 = arith.constant 0 : i32
    %dma_wait3A_57 = arith.constant 0 : i32
    %dma_wait3A_58 = arith.constant 0 : i32
    %dma_wait3A_59 = tpu.memref_slice %arg4[%add3A, %dma_wait3A_56, %dma_wait3A_57, %dma_wait3A_58] : memref<32x200x128x128xf32, #tpu.memory_space<hbm>> -> memref<1x1x128x128xf32, #tpu.memory_space<hbm>>
    %dma_wait3A_60 = tpu.memref_squeeze %dma_wait3A_59 : memref<1x1x128x128xf32, #tpu.memory_space<hbm>> -> memref<128x128xf32, #tpu.memory_space<hbm>>
    %dma_wait3A_61 = arith.constant 0 : i32
    %dma_wait3A_62 = arith.constant 0 : i32
    %dma_wait3A_63 = tpu.memref_slice %arg4[%add3A, %dma_wait3A_56, %dma_wait3A_61, %dma_wait3A_62] : memref<32x200x128x128xf32, #tpu.memory_space<hbm>> -> memref<1x1x128x128xf32, #tpu.memory_space<hbm>>
    %dma_wait3A_64 = tpu.memref_squeeze %dma_wait3A_63 : memref<1x1x128x128xf32, #tpu.memory_space<hbm>> -> memref<128x128xf32, #tpu.memory_space<hbm>>
    tpu.wait_dma2 semaphore(%arg18 : memref<!tpu.dma_semaphore, #tpu.memory_space<semaphore_mem>>) src(%arg8 : memref<128x128xf32, #tpu.memory_space<vmem>>) dst(%dma_wait3A_64 : memref<128x128xf32, #tpu.memory_space<hbm>>)
    %dma_wait3A_65 = arith.constant 0 : i32
    %dma_wait3A_66 = arith.constant 0 : i32
    %dma_wait3A_67 = arith.constant 0 : i32
    %dma_wait3A_68 = tpu.memref_slice %arg4[%add3A, %dma_wait3A_65, %dma_wait3A_66, %dma_wait3A_67] : memref<32x200x128x128xf32, #tpu.memory_space<hbm>> -> memref<1x1x128x128xf32, #tpu.memory_space<hbm>>
    %dma_wait3A_69 = tpu.memref_squeeze %dma_wait3A_68 : memref<1x1x128x128xf32, #tpu.memory_space<hbm>> -> memref<128x128xf32, #tpu.memory_space<hbm>>
    %dma_wait3A_70 = arith.constant 0 : i32
    %dma_wait3A_71 = arith.constant 0 : i32
    %dma_wait3A_72 = tpu.memref_slice %arg4[%add3A, %dma_wait3A_65, %dma_wait3A_70, %dma_wait3A_71] : memref<32x200x128x128xf32, #tpu.memory_space<hbm>> -> memref<1x1x128x128xf32, #tpu.memory_space<hbm>>
    %dma_wait3A_73 = tpu.memref_squeeze %dma_wait3A_72 : memref<1x1x128x128xf32, #tpu.memory_space<hbm>> -> memref<128x128xf32, #tpu.memory_space<hbm>>
    tpu.wait_dma2 semaphore(%arg19 : memref<!tpu.dma_semaphore, #tpu.memory_space<semaphore_mem>>) src(%arg9 : memref<128x128xf32, #tpu.memory_space<vmem>>) dst(%dma_wait3A_73 : memref<128x128xf32, #tpu.memory_space<hbm>>)
    %dma_wait3A_74 = arith.constant 0 : i32
    %dma_wait3A_75 = arith.constant 0 : i32
    %dma_wait3A_76 = arith.constant 0 : i32
    %dma_wait3A_77 = tpu.memref_slice %arg4[%add3A, %dma_wait3A_74, %dma_wait3A_75, %dma_wait3A_76] : memref<32x200x128x128xf32, #tpu.memory_space<hbm>> -> memref<1x1x128x128xf32, #tpu.memory_space<hbm>>
    %dma_wait3A_78 = tpu.memref_squeeze %dma_wait3A_77 : memref<1x1x128x128xf32, #tpu.memory_space<hbm>> -> memref<128x128xf32, #tpu.memory_space<hbm>>
    %dma_wait3A_79 = arith.constant 0 : i32
    %dma_wait3A_80 = arith.constant 0 : i32
    %dma_wait3A_81 = tpu.memref_slice %arg4[%add3A, %dma_wait3A_74, %dma_wait3A_79, %dma_wait3A_80] : memref<32x200x128x128xf32, #tpu.memory_space<hbm>> -> memref<1x1x128x128xf32, #tpu.memory_space<hbm>>
    %dma_wait3A_82 = tpu.memref_squeeze %dma_wait3A_81 : memref<1x1x128x128xf32, #tpu.memory_space<hbm>> -> memref<128x128xf32, #tpu.memory_space<hbm>>
    tpu.wait_dma2 semaphore(%arg20 : memref<!tpu.dma_semaphore, #tpu.memory_space<semaphore_mem>>) src(%arg10 : memref<128x128xf32, #tpu.memory_space<vmem>>) dst(%dma_wait3A_82 : memref<128x128xf32, #tpu.memory_space<hbm>>)
    return
  }
}

</mosaic_0001>

<sc_bundles>
// kernel: kernel.3.cloned.1.call-start
scs
__scs_entry_jumppad:
0x0: {  	(pc) =	sbr.rel $0x88, $3  }
0x1: {  	(tag) =	ssettag $0x0;
	lr =	simm.s32 $0x1  }
0x2: {  	[smem:$0x3F9F] =	sst lr;
	_ =	strace $0xD0000000  }
0x3: {  	_ = 	snop  }
0x4: {  	_ = 	snop  }
0x5: {  	_ = 	snop  }
0x6: {  	_ = 	snop  }
0x7: {  	_ = 	snop  }
__scs_overlays_trampoline_lowered:
0x8: {  	[smem:$0x3FAE] =	sst s0  }
0x9: {  	[smem:$0x3FAF] =	sst s1  }
0xa: {  	[smem:$0x3FB0] =	sst s2  }
0xb: {  	[smem:$0x3FB1] =	sst s3  }
0xc: {  	[smem:$0x3FB2] =	sst s4  }
0xd: {  	[smem:$0x3FB3] =	sst s5  }
0xe: {  	[smem:$0x3FB4] =	sst s6  }
0xf: {  	[smem:$0x3FB5] =	sst s7  }
0x10: {  	[smem:$0x3FB6] =	sst s8  }
0x11: {  	[smem:$0x3FB7] =	sst s9;
	s0 =	simm.s32 @!p0 $0x0  }
0x12: {  	s1 =	sld [smem:$0x3F9D];
	s0 =	simm.s32 @p0 $0x1  }
0x13: {  	[smem:$0x3FB8] =	sst s0;
	s0 =	simm.s32 @!p1 $0x0  }
0x14: {  	s2 =	sld [smem:$0x3F9C];
	s0 =	simm.s32 @p1 $0x1  }
0x15: {  	[smem:$0x3FB9] =	sst s0;
	s0 =	simm.s32 @!p2 $0x0  }
0x16: {  	s3 =	sld [smem:$0x3FDB];
	s0 =	simm.s32 @p2 $0x1  }
0x17: {  	s4 =	simm.s32 $0x1BF5;
	[smem:$0x3FBB] =	sst s0  }
0x18: {  	s0 =	sld [smem:$0x3F9E];
	_ =	swait.ge [sflag:s4], $0x0  }
0x19: {  	s7 =	sld [smem:$0x3F9F]  }
0x1a: {  	s8 =	sadd.s32 $0xFFFFE003, lr  }
0x1b: {  	s9 =	sadd.s32 $0xFFFFFEF7, lr;
	s5 =	simm.s32 $0xFFFFFFFF;
	p2 =	slt.u32 s8, $0xFFFFF086  }
0x1c: {  	p1 =	slt.u32 s9, $0xF7A;
	s5 =	simm.s32 @!p2 $0x0  }
0x1d: {  	s5 =	simm.s32 @p1 $0x1;
	p0 =	seq.s32 s7, s2  }
0x1e: {  	s7 =	smul.u32 @!p0 $0xF7A, s2;
	p2 =	seq.s32 @!p0 s5, $0x0  }
0x1f: {  	s9 =	smul.u32 $0xF7A, s1;
	s8 =	simm.s32 @!p0 $0x1BF5;
	p2 =	por !p2, p0  }
0x20: {  	[sflag:s8] =	ssyncset.s32 @!p0 $0xFFFFF086;
	s6 =	sadd.s32 @!p0 s3, s7;
	s7 =	simm.s32 @!p0 $0x108  }
0x21: {  	s3 =	sadd.s32 s3, s9;
	s6 =	sadd.s32 @!p0 $0x88, s6;
	s7 =	simm.s32 @p2 $0x1082  }
0x22: {  	[simem:s7], [sflag:s8] =	dma.local @!p0 [hbm:s6], $0xF7A  }
0x23: {  	s9 =	sor.u32 $0xD0000000, s2;
	s6 =	simm.s32 $0x108;
	_ =	swait.ge @!p0 [sflag:s8], $0x0  }
0x24: {  	s3 =	sadd.s32 $0x88, s3;
	s6 =	simm.s32 @!p1 $0x1082;
	[sflag:s4] =	ssyncset.s32 $0xFFFFF086  }
0x25: {  	[simem:s6], [sflag:s4] =	dma.local [hbm:s3], $0xF7A  }
0x26: {  	[smem:$0x3F9F] =	sst s1;
	(tag) =	ssettag s2;
	_ =	strace s9  }
0x27: {  	s1 =	sld [smem:$0x3FAF]  }
0x28: {  	s2 =	sld [smem:$0x3FB0]  }
0x29: {  	s4 =	sld [smem:$0x3FB2]  }
0x2a: {  	p0 =	seq.s32 s5, $0x0;
	s5 =	sld [smem:$0x3FB3]  }
0x2b: {  	s6 =	sld [smem:$0x3FB4]  }
0x2c: {  	s7 =	sld [smem:$0x3FB5]  }
0x2d: {  	s3 =	simm.s32 $0x108;
	s8 =	sld [smem:$0x3FB6]  }
0x2e: {  	s3 =	simm.s32 @!p0 $0x1082;
	s9 =	sld [smem:$0x3FB7]  }
0x2f: {  	lr =	sadd.s32 s0, s3;
	s0 =	sld [smem:$0x3FAE]  }
0x30: {  	s3 =	sld [smem:$0x3FB1]  }
0x31: {  	[smem:$0x3FBA] =	sst s10  }
0x32: {  	s10 =	sld [smem:$0x3FB8];
	_ =	sdelay $0x3  }
0x33: {  	p0 =	seq.s32 s10, $0x1;
	s10 =	sld [smem:$0x3FBA];
	_ =	sdelay $0x3  }
0x34: {  	[smem:$0x3FBA] =	sst s10  }
0x35: {  	s10 =	sld [smem:$0x3FB9];
	_ =	sdelay $0x3  }
0x36: {  	p1 =	seq.s32 s10, $0x1;
	s10 =	sld [smem:$0x3FBA];
	_ =	sdelay $0x3  }
0x37: {  	[smem:$0x3FBA] =	sst s10  }
0x38: {  	s10 =	sld [smem:$0x3FBB]  }
0x39: {  	_ = 	snop;
	(pc) =	sbr.ind lr, $3  }
0x3a: {  	_ = 	snop  }
0x3b: {  	_ = 	snop  }
0x3c: {  	p2 =	seq.s32 s10, $0x1;
	s10 =	sld [smem:$0x3FBA]  }
0x3d: {  	_ =	shalt  }
0x3e: {  	_ =	shalt  }
0x3f: {  	_ =	shalt  }
0x40: {  	_ =	shalt  }
0x41: {  	_ =	shalt  }
0x42: {  	_ =	shalt  }
0x43: {  	_ =	shalt  }
0x44: {  	_ =	shalt  }
0x45: {  	_ =	shalt  }
0x46: {  	_ =	shalt  }
0x47: {  	_ =	shalt  }
0x48: {  	_ =	shalt  }
0x49: {  	_ =	shalt  }
0x4a: {  	_ =	shalt  }
0x4b: {  	_ =	shalt  }
0x4c: {  	_ =	shalt  }
0x4d: {  	_ =	shalt  }
0x4e: {  	_ =	shalt  }
0x4f: {  	_ =	shalt  }
0x50: {  	_ =	shalt  }
0x51: {  	_ =	shalt  }
0x52: {  	_ =	shalt  }
0x53: {  	_ =	shalt  }
0x54: {  	_ =	shalt  }
0x55: {  	_ =	shalt  }
0x56: {  	_ =	shalt  }
0x57: {  	_ =	shalt  }
0x58: {  	_ =	shalt  }
0x59: {  	_ =	shalt  }
0x5a: {  	_ =	shalt  }
0x5b: {  	_ =	shalt  }
0x5c: {  	_ =	shalt  }
0x5d: {  	_ =	shalt  }
0x5e: {  	_ =	shalt  }
0x5f: {  	_ =	shalt  }
0x60: {  	_ =	shalt  }
0x61: {  	_ =	shalt  }
0x62: {  	_ =	shalt  }
0x63: {  	_ =	shalt  }
0x64: {  	_ =	shalt  }
0x65: {  	_ =	shalt  }
0x66: {  	_ =	shalt  }
0x67: {  	_ =	shalt  }
0x68: {  	_ =	shalt  }
0x69: {  	_ =	shalt  }
0x6a: {  	_ =	shalt  }
0x6b: {  	_ =	shalt  }
0x6c: {  	_ =	shalt  }
0x6d: {  	_ =	shalt  }
0x6e: {  	_ =	shalt  }
0x6f: {  	_ =	shalt  }
0x70: {  	_ =	shalt  }
0x71: {  	_ =	shalt  }
0x72: {  	_ =	shalt  }
0x73: {  	_ =	shalt  }
0x74: {  	_ =	shalt  }
0x75: {  	_ =	shalt  }
0x76: {  	_ =	shalt  }
0x77: {  	_ =	shalt  }
0x78: {  	_ =	shalt  }
0x79: {  	_ =	shalt  }
0x7a: {  	_ =	shalt  }
0x7b: {  	_ =	shalt  }
0x7c: {  	_ =	shalt  }
0x7d: {  	_ =	shalt  }
0x7e: {  	_ =	shalt  }
0x7f: {  	_ =	shalt  }
0x80: {  	_ =	shalt  }
0x81: {  	_ =	shalt  }
0x82: {  	_ =	shalt  }
0x83: {  	_ =	shalt  }
0x84: {  	_ =	shalt  }
0x85: {  	_ =	shalt  }
0x86: {  	_ =	shalt  }
0x87: {  	_ =	shalt  }
.Lfunc_end0:
.L_simem_size_0:
called_computation.1_lowered:
.L_overlay_start_0:
0x88: {  	s2 =	sld [smem:$0x3FD9]  }
0x89: {  	s3 =	sld [smem:$0x3FFE];
	_ =	sdelay $0x1  }
0x8a: {  	s1 =	srdreg.scid  }
0x8b: {  	s0 =	sand.u32 $0x1, s1  }
0x8c: {  	s16 =	sshll.u32 s0, $0xA;
	s2 =	sadd.s32 s3, s2  }
0x8d: {  	s2 =	sadd.s32 s2, s16  }
0x8e: {  	[smem:$0x3FC6] =	sst s2  }
0x8f: {  	_ = 	snop  }
0x90: {  	(tm) =	ssettm $0x1  }
0x91: {  	s17 =	sld [smem:$0x3FFB];
	_ =	sdelay $0x3  }
0x92: {  	_ =	strace s17  }
0x93: {  	s2 =	sld [smem:$0x3FFC];
	_ =	sdelay $0x3  }
0x94: {  	_ =	strace s2  }
0x95: {  	s2 =	sld [smem:$0x3FFD];
	_ =	sdelay $0x3  }
0x96: {  	_ =	strace s2  }
0x97: {  	_ =	strace $0x8FFFFFFF  }
0x98: {  	s18 =	sld [smem:$0x3FDB];
	_ =	sdelay $0x1  }
0x99: {  	s19 =	simm.s32 $_scs_section_size  }
0x9a: {  	s4 =	simm.s32 $_size__tile_overlayer_lowered;
	s5 =	simm.s32 $_tile_overlayer_lowered  }
0x9b: {  	s22 =	simm.s32 $0x1BFF;
	s21 =	sshll.u32 s5, $0x1;
	s2 =	sadd.s32 s19, s18  }
0x9c: {  	s6 =	simm.s32 $0x0;
	s20 =	sshll.u32 s4, $0x1;
	s4 =	sadd.s32 s21, s2  }
0x9d: {  	[timem:s6], [sflag:s22] =	dma.local [hbm:s4], s20  }
0x9e: {  	_ =	swait.ge [sflag:s22], s20  }
0x9f: {  	s3 =	ssub.s32 $0x0, s20;
	[sflag:s22] =	ssyncset.done $0x0  }
0xa0: {  	[sflag:s22] =	ssyncadd.s32 s3;
	_ =	sdelay $0x1  }
0xa1: {  	s23 =	simm.s32 $0x1B8B  }
0xa2: {  	_ =	swait.ge [sflag:s23], $0x1  }
0xa3: {  	[sflag:s23] =	ssyncset.done $0x0  }
0xa4: {  	s25 =	simm.s32 $0x1B8E;
	s24 =	sld [smem:$0x3FFE];
	[sflag:s23] =	ssyncadd.s32 $0xFFFFFFFF  }
0xa5: {  	s26 =	simm.s32 $execute0_lowered;
	[smem:$0x3FD2] =	sst s25  }
0xa6: {  	s4 =	sshll.u32 s26, $0x1;
	_ =	strace $0x80000046;
	[dreg:$0x1] =	wrdreg $0xFFFFFFFF  }
0xa7: {  	s28 =	simm.s32 $_size_execute0_lowered;
	s2 =	sadd.s32 s2, s4;
	[dreg:$0x0] =	wrdreg $0x0  }
0xa8: {  	s4 =	sshll.u32 s28, $0x1;
	[dreg:$0x2] =	wrdreg s2  }
0xa9: {  	[dreg:$0x3] =	wrdreg s4  }
0xaa: {  	[dreg:$0x4] =	wrdreg $0xC0  }
0xab: {  	_ =	task [dreg:s6], $0x5FFFF  }
0xac: {  	[dreg:$0x1] =	wrdreg $0xFFFFFFFF  }
0xad: {  	[dreg:$0x0] =	wrdreg $0x60  }
0xae: {  	[dreg:$0x2] =	wrdreg s24  }
0xaf: {  	[dreg:$0x3] =	wrdreg $0x9  }
0xb0: {  	_ =	task.clear_ibuf [dreg:s6], $0x4FFFF;
	_ =	strace $0x90000046  }
0xb1: {  	s29 =	simm.s32 $0x9;
	_ =	strace $0x80000048  }
0xb2: {  	_ =	swait.ge [sflag:s29], $0x1  }
0xb3: {  	[sflag:s29] =	ssyncadd.s32 $0xFFFFFFFF  }
0xb4: {  	_ =	strace $0x90000048  }
0xb5: {  	_ =	sfence  }
0xb6: {  	s30 =	sld [smem:$0x0];
	_ =	sdelay $0x2  }
0xb7: {  	s31 =	sshll.u32 s1, $0xD;
	s1 =	sshrl.u32 s1, $0x2  }
0xb8: {  	s3 =	sand.u32 $0x4000, s31;
	s1 =	sadd.s32 s1, s30  }
0xb9: {  	s0 =	sor.u32 s3, s0;
	s1 =	sshll.u32 s1, $0x11  }
0xba: {  	s0 =	sor.u32 s1, s0  }
0xbb: {  	s0 =	sadd.s32 $0x8F2B, s0  }
0xbc: {  	[sflag:s0] =	ssyncadd.remote.s32 $0x1  }
0xbd: {  	_ =	sfence.sel $0xFFFF  }
0xbe: {  	[dreg:$0x0] =	wrdreg $0xFFFFFFFF;
	(pc) =	sbr.abs _section_cstart, $3  }
0xbf: {  	[dreg:$0x1] =	wrdreg $0xFFFFFFFF  }
0xc0: {  	_ =	task.clear_ibuf [dreg:s6], $0x2FFFF;
	_ =	strace $0x9FFFFFFF  }
0xc1: {  	(tm) =	ssettm $0x7FFFFFFF  }
tec
execute0_lowered:
.L_overlay_start_1:
0x0: {  	(tag) =	ssettag $0x1  }
0x1: {  	s0 =	srdreg.scid  }
0x2: {  	s7 =	stileid.u32;
	s1 =	rddreg [dreg:$0x0];
	s2 =	simm.s32 $0x0  }
0x3: {  	s13 =	simm.s32 $0xB;
	s28 =	simm.s32 $0x7;
	s29 =	simm.s32 $0x8  }
0x4: {  	s30 =	simm.s32 $0x9;
	s31 =	simm.s32 $0xA;
	s0 =	sand.u32 $0x1, s0  }
0x5: {  	s3 =	sshll.u32 s7, $0x1;
	[smem:$0x7FF] =	sst s2;
	s7 =	smul.u32 $0x640000, s7  }
0x6: {  	s3 =	sor.u32 s0, s3;
	s6 =	ssub.s32 $0x2, s0;
	s0 =	smul.u32 $0x320000, s0  }
0x7: {  	_ =	strace $0x80000047;
	s4 =	smul.u32 $0xC80, s3;
	s8 =	sshrl.u32 s6, $0x1  }
0x8: {  	s5 =	smul.u32 $0x320000, s3;
	s3 =	sadd.s32 $0x19800, s1;
	s6 =	ssub.s32 s6, s8  }
0x9: {  	s0 =	sadd.s32 s0, s7;
	s4 =	sadd.s32 s4, s1;
	s1 =	sadd.s32 $0x1A0200, s1  }
0xa: {  	s5 =	sshrl.u32 s5, $0x3;
	s15 =	smax.u32 s6, $0x1;
	s9 =	sor.u32 $0x10000, s0  }
0xb: {  	s17 =	sor.u32 $0xC000, s0;
	s20 =	sor.u32 $0x8000, s0;
	s23 =	sor.u32 $0x4000, s0  }
0xc: {  	s0 =	sshrl.u32 s0, $0x3;
	s4 =	sadd.s32 $0x800, s4;
	s14 =	sadd.s32 s1, s5  }
0xd: {  	[dreg:$0x3] =	wrdreg s15;
	s16 =	sshrl.u32 s9, $0x3;
	s19 =	sshrl.u32 s17, $0x3  }
0xe: {  	s22 =	sshrl.u32 s20, $0x3;
	s25 =	sshrl.u32 s23, $0x3;
	s0 =	sadd.s32 s0, s1  }
0xf: {  	s15 =	simm.s32 $0x6400;
	s23 =	simm.s32 $0x1;
	[dreg:$0x2] =	wrdreg s4  }
0x10: {  	s6 =	sadd.s32 $0x62000, s14;
	s7 =	sadd.s32 $0x63000, s14;
	s18 =	sadd.s32 s16, s1  }
.Ltmp0:
0x11: {  	s21 =	sadd.s32 s19, s1;
	[dreg:$0x4] =	wrdreg s18;
	(pc) =	sbr.rel .LBB2_1-.Ltmp0, $4  }
0x12: {  	s24 =	sadd.s32 s22, s1;
	s26 =	sadd.s32 s25, s1;
	[dreg:$0x5] =	wrdreg s21  }
0x13: {  	s14 =	simm.s32 $0x80;
	s22 =	simm.s32 $0x16400;
	[dreg:$0x6] =	wrdreg s24  }
0x14: {  	s25 =	simm.s32 $0x5;
	s1 =	simm.s32 $0x0;
	[dreg:$0x7] =	wrdreg s26  }
0x15: {  	s18 =	simm.s32 $0xE400;
	s24 =	simm.s32 $0x3;
	s26 =	simm.s32 $0x6  }
.LBB2_4:
0x16: {  	_ =	swait.ge [sflag:s26], $0x4000  }
0x17: {  	[sflag:s26] =	ssyncset.done $0x0  }
0x18: {  	[sflag:s26] =	ssyncadd.s32 $0xFFFFC000  }
0x19: {  	_ =	swait.ge [sflag:s28], $0x4000  }
0x1a: {  	[sflag:s28] =	ssyncset.done $0x0  }
0x1b: {  	[sflag:s28] =	ssyncadd.s32 $0xFFFFC000  }
0x1c: {  	_ =	swait.ge [sflag:s29], $0x4000  }
0x1d: {  	[sflag:s29] =	ssyncset.done $0x0  }
0x1e: {  	[sflag:s29] =	ssyncadd.s32 $0xFFFFC000  }
0x1f: {  	_ =	swait.ge [sflag:s30], $0x4000  }
0x20: {  	[sflag:s30] =	ssyncset.done $0x0  }
0x21: {  	[sflag:s30] =	ssyncadd.s32 $0xFFFFC000  }
0x22: {  	_ =	swait.ge [sflag:s31], $0x4000  }
0x23: {  	s1 =	sadd.s32 $0x1, s1;
	s4 =	rddreg [dreg:$0x3]  }
0x24: {  	p0 =	sne.s32 s1, s4  }
.Ltmp1:
0x25: {  	_ = 	snop;
	(pc) =	sbr.rel @!p0 .LBB2_5-.Ltmp1, $3  }
0x26: {  	_ =	sdelay $0x1  }
0x27: {  	[sflag:s31] =	ssyncset.done $0x0  }
0x28: {  	[sflag:s31] =	ssyncadd.s32 $0xFFFFC000  }
.LBB2_1:
0x29: {  	s4 =	rddreg [dreg:$0x2]  }
0x2a: {  	[tilespmem:s2], [sflag:$0xB] =	stream.linear.gather [hbm4b:s4+s2], $0x6400, $0x38;
	[tilespmem:$0x1A400] =	vst v63  }
0x2b: {  	_ =	swait.ge [sflag:s13], $0x6400  }
0x2c: {  	[sflag:s13] =	ssyncset.done $0x0  }
0x2d: {  	[sflag:s13] =	ssyncadd.s32 $0xFFFF9C00  }
0x2e: {  	[tilespmem:s15], [sflag:$0x1] =	stream.indirect.gather [hbm4b:s3+s14], $0x80, s2, s14, $0xb8;
	[tilespmem:$0x1A400] =	vst v63  }
0x2f: {  	s17 =	simm.s32 $0xA400  }
0x30: {  	[tilespmem:s17], [sflag:$0x2] =	stream.indirect.gather [hbm4b:s3+s14], $0x80, s14, s14, $0xb8;
	[tilespmem:$0x1A400] =	vst v63  }
0x31: {  	s19 =	simm.s32 $0x100;
	s11 =	rddreg [dreg:$0x7]  }
0x32: {  	[tilespmem:s18], [sflag:$0x3] =	stream.indirect.gather [hbm4b:s3+s14], $0x80, s19, s14, $0xb8;
	[tilespmem:$0x1A400] =	vst v63  }
0x33: {  	s20 =	simm.s32 $0x180;
	s5 =	simm.s32 $0x12400;
	s10 =	rddreg [dreg:$0x6]  }
0x34: {  	[tilespmem:s5], [sflag:$0x4] =	stream.indirect.gather [hbm4b:s3+s14], $0x80, s20, s14, $0xb8;
	[tilespmem:$0x1A400] =	vst v63  }
0x35: {  	s21 =	simm.s32 $0x200;
	s9 =	rddreg [dreg:$0x5]  }
0x36: {  	[tilespmem:s22], [sflag:$0x5] =	stream.indirect.gather [hbm4b:s3+s14], $0x80, s21, s14, $0xb8;
	[tilespmem:$0x1A400] =	vst v63  }
0x37: {  	s12 =	smov.u32 s0;
	s8 =	rddreg [dreg:$0x4];
	s21 =	simm.s32 $0x0  }
.LBB2_2:
0x38: {  	_ =	swait.ge [sflag:s23], $0x4000  }
0x39: {  	p0 =	seq.s32 s21, $0x18600;
	[sflag:s23] =	ssyncset.done $0x0  }
0x3a: {  	s4 =	simm.s32 @p0 $0x2;
	[sflag:s23] =	ssyncadd.s32 $0xFFFFC000  }
0x3b: {  	[hbm4b:s12+s2] =	stream.linear.scatter [tilespmem:s15], [sflag:$0x6], $0x4000, $0x38;
	[tilespmem:$0x1A400] =	vst v63  }
0x3c: {  	_ =	swait.ge @p0 [sflag:s4], $0x4000  }
0x3d: {  	[sflag:s4] =	ssyncset.done @p0 $0x0  }
0x3e: {  	s5 =	simm.s32 @p0 $0xA400;
	[sflag:s4] =	ssyncadd.s32 @p0 $0xFFFFC000;
	s4 =	simm.s32 @p0 $0x0  }
0x3f: {  	[hbm4b:s6+s4] =	stream.linear.scatter @p0 [tilespmem:s5], [sflag:$0x7], $0x4000, $0x38;
	[tilespmem:$0x1A400] =	vst v63  }
0x40: {  	s5 =	simm.s32 @!p0 $0x6  }
0x41: {  	_ =	swait.ge @!p0 [sflag:s5], $0x4000  }
0x42: {  	[sflag:s5] =	ssyncset.done @!p0 $0x0  }
0x43: {  	[sflag:s5] =	ssyncadd.s32 @!p0 $0xFFFFC000;
	s5 =	sshra.s32 @!p0 s21, $0x2  }
0x44: {  	s19 =	simm.s32 @!p0 $0x80;
	s17 =	simm.s32 @!p0 $0x6400;
	s20 =	sadd.s32 @!p0 $0x280, s5  }
0x45: {  	[tilespmem:s17], [sflag:$0x1] =	stream.indirect.gather @!p0 [hbm4b:s3+s19], $0x80, s20, s19, $0xb8;
	[tilespmem:$0x1A400] =	vst v63  }
0x46: {  	s17 =	simm.s32 @!p0 $0x2  }
0x47: {  	_ =	swait.ge @!p0 [sflag:s17], $0x4000  }
0x48: {  	s16 =	simm.s32 @!p0 $0x7;
	[sflag:s17] =	ssyncset.done @!p0 $0x0  }
0x49: {  	s20 =	simm.s32 @!p0 $0xA400;
	[sflag:s17] =	ssyncadd.s32 @!p0 $0xFFFFC000;
	s17 =	simm.s32 @!p0 $0x0  }
0x4a: {  	[hbm4b:s11+s17] =	stream.linear.scatter @!p0 [tilespmem:s20], [sflag:$0x7], $0x4000, $0x38;
	[tilespmem:$0x1A400] =	vst v63  }
0x4b: {  	_ =	swait.ge @!p0 [sflag:s16], $0x4000  }
0x4c: {  	[sflag:s16] =	ssyncset.done @!p0 $0x0  }
0x4d: {  	[sflag:s16] =	ssyncadd.s32 @!p0 $0xFFFFC000;
	s16 =	sadd.s32 @!p0 $0x300, s5  }
0x4e: {  	[tilespmem:s20], [sflag:$0x2] =	stream.indirect.gather @!p0 [hbm4b:s3+s19], $0x80, s16, s19, $0xb8;
	[tilespmem:$0x1A400] =	vst v63  }
0x4f: {  	_ =	swait.ge [sflag:s24], $0x4000  }
0x50: {  	[sflag:s24] =	ssyncset.done $0x0  }
0x51: {  	s16 =	simm.s32 @p0 $0x4;
	[sflag:s24] =	ssyncadd.s32 $0xFFFFC000  }
0x52: {  	[hbm4b:s10+s2] =	stream.linear.scatter [tilespmem:s18], [sflag:$0x8], $0x4000, $0x38;
	[tilespmem:$0x1A400] =	vst v63  }
0x53: {  	_ =	swait.ge @p0 [sflag:s16], $0x4000  }
0x54: {  	[sflag:s16] =	ssyncset.done @p0 $0x0  }
0x55: {  	[sflag:s16] =	ssyncadd.s32 @p0 $0xFFFFC000;
	s16 =	simm.s32 @p0 $0x12400  }
0x56: {  	[hbm4b:s7+s4] =	stream.linear.scatter @p0 [tilespmem:s16], [sflag:$0x9], $0x4000, $0x38;
	[tilespmem:$0x1A400] =	vst v63  }
0x57: {  	s4 =	simm.s32 @!p0 $0x8  }
0x58: {  	_ =	swait.ge @!p0 [sflag:s4], $0x4000  }
0x59: {  	[sflag:s4] =	ssyncset.done @!p0 $0x0  }
0x5a: {  	s16 =	simm.s32 @!p0 $0xE400;
	[sflag:s4] =	ssyncadd.s32 @!p0 $0xFFFFC000;
	s4 =	sadd.s32 @!p0 $0x380, s5  }
0x5b: {  	[tilespmem:s16], [sflag:$0x3] =	stream.indirect.gather @!p0 [hbm4b:s3+s19], $0x80, s4, s19, $0xb8;
	[tilespmem:$0x1A400] =	vst v63  }
0x5c: {  	s4 =	simm.s32 @!p0 $0x4  }
0x5d: {  	_ =	swait.ge @!p0 [sflag:s4], $0x4000  }
0x5e: {  	[sflag:s4] =	ssyncset.done @!p0 $0x0  }
0x5f: {  	s16 =	simm.s32 @!p0 $0x9;
	[sflag:s4] =	ssyncadd.s32 @!p0 $0xFFFFC000;
	s4 =	simm.s32 @!p0 $0x12400  }
0x60: {  	[hbm4b:s9+s17] =	stream.linear.scatter @!p0 [tilespmem:s4], [sflag:$0x9], $0x4000, $0x38;
	[tilespmem:$0x1A400] =	vst v63  }
0x61: {  	_ =	swait.ge @!p0 [sflag:s16], $0x4000  }
0x62: {  	[sflag:s16] =	ssyncset.done @!p0 $0x0  }
0x63: {  	s5 =	sadd.s32 @!p0 $0x400, s5;
	[sflag:s16] =	ssyncadd.s32 @!p0 $0xFFFFC000  }
0x64: {  	[tilespmem:s4], [sflag:$0x4] =	stream.indirect.gather @!p0 [hbm4b:s3+s19], $0x80, s5, s19, $0xb8;
	[tilespmem:$0x1A400] =	vst v63  }
.Ltmp2:
0x65: {  	_ = 	snop;
	(pc) =	sbr.rel @p0 .LBB2_4-.Ltmp2, $4  }
0x66: {  	_ =	swait.ge [sflag:s25], $0x4000  }
0x67: {  	[sflag:s25] =	ssyncset.done $0x0  }
0x68: {  	[sflag:s25] =	ssyncadd.s32 $0xFFFFC000  }
0x69: {  	[hbm4b:s8+s2] =	stream.linear.scatter [tilespmem:s22], [sflag:$0xA], $0x4000, $0x38;
	[tilespmem:$0x1A400] =	vst v63  }
.Ltmp3:
0x6a: {  	_ =	swait.ge [sflag:s31], $0x4000;
	s4 =	sshra.s32 s21, $0x2;
	(pc) =	sbr.rel .LBB2_2-.Ltmp3, $4  }
0x6b: {  	s21 =	sadd.s32 $0xA00, s21;
	s8 =	sadd.s32 $0x2800, s8;
	s9 =	sadd.s32 $0x2800, s9  }
0x6c: {  	s10 =	sadd.s32 $0x2800, s10;
	s11 =	sadd.s32 $0x2800, s11;
	[sflag:s31] =	ssyncset.done $0x0  }
0x6d: {  	s12 =	sadd.s32 $0x2800, s12;
	s4 =	sadd.s32 $0x480, s4;
	[sflag:s31] =	ssyncadd.s32 $0xFFFFC000  }
0x6e: {  	[tilespmem:s22], [sflag:$0x5] =	stream.indirect.gather [hbm4b:s3+s14], $0x80, s4, s14, $0xb8;
	[tilespmem:$0x1A400] =	vst v63  }
.LBB2_5:
0x6f: {  	_ =	sfence.sel $0x180000  }
0x70: {  	[bflag:$0x0] =	sbarrier.arrive $0xFFFF  }
0x71: {  	_ =	strace $0x90000047  }
0x72: {  	s0 =	stileid.u32;
	[bflag:$0x2] =	sbarrier.arrive $0xFFFF  }
0x73: {  	p0 =	sne.s32 s0, $0x0;
	s0 =	rddreg [dreg:$0x1]  }
0x74: {  	s0 =	sadd.s32 @!p0 $0x100000, s0  }
0x75: {  	[sflag:s0] =	ssyncadd.tile.s32 @!p0 $0x1;
	_ =	shalt  }
.Lfunc_end2:
_tile_overlayer_lowered:
.L_overlay_start_2:
0x76: {  	(tag) =	ssettag $0x2  }
0x77: {  	s0 =	rddreg [dreg:$0x0];
	s2 =	stileid.u32  }
0x78: {  	s1 =	rddreg [dreg:$0x1];
	p0 =	sne.s32 s2, $0x0  }
0x79: {  	s3 =	rddreg [dreg:$0x2];
	[bflag:$0x3] =	sbarrier.arrive $0xFFFF;
	s2 =	simm.s32 @!p0 $0x1C0B  }
0x7a: {  	[timem:s3], [sflag:s2] =	dma.local @!p0 [hbm:s0], s1  }
0x7b: {  	s0 =	simm.s32 @!p0 $0xB  }
0x7c: {  	_ =	swait.ge @!p0 [sflag:s0], s1  }
0x7d: {  	s1 =	ssub.s32 @!p0 $0x0, s1;
	[sflag:s0] =	ssyncset.done @!p0 $0x0  }
0x7e: {  	[sflag:s0] =	ssyncadd.s32 @!p0 s1  }
0x7f: {  	[bflag:$0x3] =	sbarrier.arrive $0xFFFF  }
0x80: {  	_ =	shalt  }

// kernel: sparse-core-data-format-call.cloned.1.call-start
scs
called_computation_lowered:
.L_overlay_start_0:
0x0: {  	s2 =	sld [smem:$0x3FD9]  }
0x1: {  	s3 =	sld [smem:$0x3FFE];
	_ =	sdelay $0x1  }
0x2: {  	s1 =	srdreg.scid  }
0x3: {  	s0 =	sand.u32 $0x1, s1  }
0x4: {  	s18 =	sshll.u32 s0, $0xA;
	s2 =	sadd.s32 s3, s2  }
0x5: {  	s2 =	sadd.s32 s2, s18  }
0x6: {  	[smem:$0x3FC6] =	sst s2  }
0x7: {  	_ = 	snop  }
0x8: {  	s2 =	sld [smem:$0x3FD0];
	(tm) =	ssettm $0x1  }
0x9: {  	s19 =	sld [smem:$0x3FFB];
	_ =	sdelay $0x3  }
0xa: {  	_ =	strace s19  }
0xb: {  	s3 =	sld [smem:$0x3FFC];
	_ =	sdelay $0x3  }
0xc: {  	_ =	strace s3  }
0xd: {  	s3 =	sld [smem:$0x3FFD];
	_ =	sdelay $0x3  }
0xe: {  	_ =	strace s3  }
0xf: {  	_ =	strace $0x8FFFFFFF  }
0x10: {  	s20 =	sld [smem:$0x3FDB];
	_ =	sdelay $0x1  }
0x11: {  	s4 =	simm.s32 $_scs_section_size  }
0x12: {  	s5 =	simm.s32 $_size__tile_overlayer_lowered;
	s6 =	simm.s32 $_tile_overlayer_lowered  }
0x13: {  	s23 =	simm.s32 $0x1BFF;
	s22 =	sshll.u32 s6, $0x1;
	s3 =	sadd.s32 s4, s20  }
0x14: {  	s7 =	simm.s32 $0x0;
	s21 =	sshll.u32 s5, $0x1;
	s5 =	sadd.s32 s22, s3  }
0x15: {  	[timem:s7], [sflag:s23] =	dma.local [hbm:s5], s21  }
0x16: {  	_ =	swait.ge [sflag:s23], s21  }
0x17: {  	s4 =	ssub.s32 $0x0, s21;
	[sflag:s23] =	ssyncset.done $0x0  }
0x18: {  	[sflag:s23] =	ssyncadd.s32 s4;
	_ =	sdelay $0x1  }
0x19: {  	s24 =	simm.s32 $0x1B8B  }
0x1a: {  	_ =	swait.ge [sflag:s24], $0x1  }
0x1b: {  	[sflag:s24] =	ssyncset.done $0x0  }
0x1c: {  	s26 =	simm.s32 $0x1B8E;
	s25 =	sld [smem:$0x3FFE];
	[sflag:s24] =	ssyncadd.s32 $0xFFFFFFFF  }
0x1d: {  	s27 =	simm.s32 $execute0_lowered;
	[smem:$0x3FD2] =	sst s26  }
0x1e: {  	s5 =	sshll.u32 s27, $0x1;
	_ =	strace $0x80000049;
	[dreg:$0x1] =	wrdreg $0xFFFFFFFF  }
0x1f: {  	s28 =	simm.s32 $_size_execute0_lowered;
	s3 =	sadd.s32 s3, s5;
	[dreg:$0x0] =	wrdreg $0x0  }
0x20: {  	s5 =	sshll.u32 s28, $0x1;
	[dreg:$0x2] =	wrdreg s3  }
0x21: {  	[dreg:$0x3] =	wrdreg s5  }
0x22: {  	[dreg:$0x4] =	wrdreg $0xC0  }
0x23: {  	_ =	task [dreg:s7], $0x5FFFF  }
0x24: {  	[dreg:$0x1] =	wrdreg $0xFFFFFFFF  }
0x25: {  	[dreg:$0x0] =	wrdreg $0x60  }
0x26: {  	[dreg:$0x2] =	wrdreg s25  }
0x27: {  	[dreg:$0x3] =	wrdreg s2  }
0x28: {  	[dreg:$0x4] =	wrdreg $0x9  }
0x29: {  	_ =	task.clear_ibuf [dreg:s7], $0x5FFFF;
	_ =	strace $0x90000049  }
0x2a: {  	s29 =	simm.s32 $0x9;
	_ =	strace $0x8000004B  }
0x2b: {  	_ =	swait.ge [sflag:s29], $0x1  }
0x2c: {  	[sflag:s29] =	ssyncadd.s32 $0xFFFFFFFF  }
0x2d: {  	_ =	strace $0x9000004B  }
0x2e: {  	_ =	sfence  }
0x2f: {  	s30 =	sld [smem:$0x0];
	_ =	sdelay $0x2  }
0x30: {  	s31 =	sshll.u32 s1, $0xD;
	s1 =	sshrl.u32 s1, $0x2  }
0x31: {  	s3 =	sand.u32 $0x4000, s31;
	s1 =	sadd.s32 s1, s30  }
0x32: {  	s0 =	sor.u32 s3, s0;
	s1 =	sshll.u32 s1, $0x11  }
0x33: {  	s0 =	sor.u32 s1, s0  }
0x34: {  	s0 =	sadd.s32 $0x8F2B, s0  }
0x35: {  	[sflag:s0] =	ssyncadd.remote.s32 $0x1  }
0x36: {  	_ =	sfence.sel $0xFFFF  }
0x37: {  	[dreg:$0x0] =	wrdreg $0xFFFFFFFF;
	(pc) =	sbr.abs _section_cstart, $3  }
0x38: {  	[dreg:$0x1] =	wrdreg $0xFFFFFFFF  }
0x39: {  	_ =	task.clear_ibuf [dreg:s7], $0x2FFFF;
	_ =	strace $0x9FFFFFFF  }
0x3a: {  	(tm) =	ssettm $0x7FFFFFFF  }
0x3b: {  	_ =	shalt  }
tec
execute0_lowered:
.L_overlay_start_1:
0x0: {  	(tag) =	ssettag $0x1  }
0x1: {  	s0 =	srdreg.scid  }
0x2: {  	s1 =	sshll.u32 s0, $0x4  }
0x3: {  	s6 =	rddreg [dreg:$0x0];
	s0 =	stileid.u32;
	s1 =	sand.u32 $0x10, s1  }
0x4: {  	s3 =	rddreg [dreg:$0x1];
	s1 =	sor.u32 s0, s1  }
0x5: {  	s5 =	simm.s32 $0x1;
	s31 =	simm.s32 $0x2;
	s2 =	sshll.u32 s1, $0x7  }
0x6: {  	s15 =	simm.s32 $0x0;
	s8 =	simm.s32 $0xC8000;
	s4 =	ssub.s32 $0x1000, s2  }
0x7: {  	s14 =	simm.s32 $0x0;
	s9 =	simm.s32 $0x0;
	s30 =	sand.u32 $0xF80, s4  }
0x8: {  	s10 =	simm.s32 $0x0;
	s11 =	simm.s32 $0x0;
	p0 =	sne.s32 s30, $0x0  }
.Ltmp0:
0x9: {  	s7 =	sshrl.u32 s4, $0xC;
	s5 =	simm.s32 @!p0 $0x0;
	(pc) =	sbr.rel .LBB1_1-.Ltmp0, $4  }
0xa: {  	s13 =	simm.s32 $0x0;
	s1 =	rddreg [dreg:$0x2];
	s5 =	sadd.s32 s5, s7  }
0xb: {  	_ =	strace $0x8000004A;
	s4 =	simm.s32 $0x1;
	s5 =	smul.u32 $0xC8, s5  }
0xc: {  	s6 =	sadd.s32 $0x1A0200, s6;
	s12 =	smov.u32 s2;
	[sflag:s4] =	ssyncpa.u1 $0x0  }
0xd: {  	[sflag:s31] =	ssyncpa.u1 $0x0;
	p0 =	por $0x0, $0x0;
	s7 =	sor.u32 $0x1, s5  }
.LBB1_4:
0xe: {  	s20 =	sshra.s32 s20, $0x2;
	s27 =	sshll.u32 s9, $0xC  }
0xf: {  	s21 =	sand.u32 $0x78, s10;
	s22 =	sshll.u32 s10, $0x3;
	s24 =	sshll.u32 s9, $0x7  }
0x10: {  	p1 =	sgt.s32 s9, $0xC7;
	s30 =	sshra.s32 s9, $0x1F;
	s25 =	sshra.s32 s10, $0x1F  }
0x11: {  	s19 =	sadd.s32 s20, s19;
	s20 =	sand.u32 $0xFFFF8000, s27;
	s23 =	sand.u32 $0xFFFFFC00, s22  }
0x12: {  	v5 =	vld [tilespmem:s17+$0xFFFFFFD0];
	[tilespmem:s18+$0x2040 ss:$0x81] =	vst.msk $0xffff, v4;
	s22 =	sand.u32 $0xC00, s22;
	s28 =	sand.u32 $0x380, s24;
	s31 =	sand.u32 s30, s9  }
0x13: {  	v58 =	vld [tilespmem:s17+$0xFFFFFFE0];
	[tilespmem:s18+$0x2850 ss:$0x81] =	vst.msk $0xffff, v3;
	s24 =	smov.u32 s10;
	s25 =	sand.u32 s25, s10;
	s20 =	sadd.s32 s23, s20  }
0x14: {  	v59 =	vld [tilespmem:s17+$0xFFFFFFF0];
	[tilespmem:s18+$0x3060 ss:$0x81] =	vst.msk $0xffff, v2;
	s21 =	sor.u32 s21, s22;
	s22 =	smov.u32 s9;
	s20 =	sshrl.u32 s20, $0xC  }
0x15: {  	v60 =	vld [tilespmem:s17+$0x0];
	[tilespmem:s18+$0x0 ss:$0x81] =	vst.msk $0xffff, v1;
	s22 =	simm.s32 @!p1 $0xC7;
	p1 =	sgt.s32 s10, $0xF80;
	s29 =	smulhi.u32 $0x147AE15, s20  }
0x16: {  	v61 =	vld [tilespmem:s17+$0x10];
	[tilespmem:s19+$0x3870 ss:$0x81] =	vst.msk $0xffff, v0;
	s21 =	sor.u32 s28, s21;
	s18 =	ssub.s32 s22, s31;
	s24 =	simm.s32 @!p1 $0xF80  }
0x17: {  	v62 =	vld [tilespmem:s17+$0x20];
	[tilespmem:s19+$0x810 ss:$0x81] =	vst.msk $0xffff, v5;
	s22 =	ssub.s32 s24, s25;
	s26 =	ssub.s32 $0xC8, s18;
	s23 =	smul.u32 $0xC8, s29  }
0x18: {  	v63 =	vld [tilespmem:s17+$0xFFFFFFC0];
	[tilespmem:s19+$0x1020 ss:$0x81] =	vst.msk $0xffff, v58;
	s27 =	sadd.s32 $0xFFFFFF39, s18;
	s18 =	smul.u32 $0x64, s26;
	s28 =	sadd.s32 $0xFFFFF080, s22  }
0x19: {  	[tilespmem:s19+$0x1830 ss:$0x81] =	vst.msk $0xffff, v59;
	p1 =	sgt.s32 s27, $0x0;
	s17 =	ssub.s32 $0x1000, s22;
	p2 =	sgt.s32 s28, $0x7F  }
0x1a: {  	s30 =	sand.u32 $0x7, s10;
	[tilespmem:s19+$0x2040 ss:$0x81] =	vst.msk $0xffff, v60;
	s18 =	simm.s32 @p1 $0x0;
	s17 =	simm.s32 @p2 $0x0  }
0x1b: {  	[tilespmem:s19+$0x2850 ss:$0x81] =	vst.msk $0xffff, v61;
	s29 =	sshrl.u32 s21, $0x3;
	s20 =	ssub.s32 s20, s23;
	s17 =	smul.u32 s17, s18  }
0x1c: {  	[tilespmem:s19+$0x3060 ss:$0x81] =	vst.msk $0xffff, v62;
	s21 =	sshll.u32 s30, $0x12;
	s20 =	sshll.u32 s20, $0x9;
	s18 =	sadd.s32 s3, s29  }
0x1d: {  	[tilespmem:s19+$0x0 ss:$0x81] =	vst.msk $0xffff, v63;
	s31 =	sor.u32 $0x80, s21;
	s18 =	sadd.s32 s20, s18;
	s17 =	sand.u32 $0x3FFFFFFC, s17  }
0x1e: {  	[hbm4b:s18+s31] =	stream.strided.scatter [tilespmem:s16], [sflag:$0x2], s17, s8, s31, $0x20;
	[tilespmem:$0x10100] =	vst v63  }
.LBB1_5:
0x1f: {  	p1 =	slt.u32 s13, $0x2  }
0x20: {  	s17 =	smov.u32 s15;
	p2 =	sgt.s32 @!p1 s15, $0xC7;
	s16 =	sshra.s32 @!p1 s15, $0x1F  }
0x21: {  	p3 =	sgt.s32 @!p1 s14, $0xF80;
	s18 =	sshra.s32 @!p1 s14, $0x1F;
	p2 =	por !p2, p1  }
0x22: {  	s15 =	sand.u32 @!p1 s16, s15;
	p3 =	por !p3, p1;
	s16 =	smov.u32 s14  }
0x23: {  	s14 =	sand.u32 @!p1 s18, s14;
	s17 =	simm.s32 @p2 $0xC7;
	s16 =	simm.s32 @p3 $0xF80  }
0x24: {  	s18 =	smov.u32 s12;
	s15 =	ssub.s32 @!p1 s17, s15;
	s14 =	ssub.s32 @!p1 s16, s14  }
0x25: {  	s16 =	sadd.s32 @!p1 $0xFFFFFF39, s15;
	s15 =	ssub.s32 @!p1 $0xC8, s15;
	s17 =	sadd.s32 @!p1 $0xFFFFF080, s14  }
0x26: {  	p2 =	sgt.s32 @!p1 s16, $0x0;
	s15 =	smul.u32 @!p1 $0x64, s15;
	p3 =	sgt.s32 @!p1 s17, $0x7F  }
0x27: {  	s14 =	ssub.s32 @!p1 $0x1000, s14;
	p2 =	por !p2, p1;
	p3 =	por !p3, p1  }
0x28: {  	s16 =	sadd.s32 $0x1, s11;
	s15 =	simm.s32 @!p2 $0x0;
	s14 =	simm.s32 @!p3 $0x0  }
0x29: {  	p2 =	sgt.s32 s16, $0xC7;
	s14 =	smul.u32 @!p1 s14, s15;
	s15 =	sadd.s32 $0x1000, s12  }
0x2a: {  	s18 =	smov.u32 @p2 s15  }
0x2b: {  	s16 =	simm.s32 @p2 $0x0;
	p2 =	sgt.s32 s18, $0xFFF  }
0x2c: {  	s18 =	smov.u32 @p2 s2;
	p2 =	sne.s32 s13, s7  }
.Ltmp1:
0x2d: {  	p0 =	por !p0, !p0;
	s17 =	simm.s32 @!p1 $0x2;
	(pc) =	sbr.rel @!p2 .LBB1_6-.Ltmp1, $4  }
0x2e: {  	s15 =	smov.u32 s9;
	s9 =	smov.u32 s11;
	s14 =	sand.u32 @!p1 $0x3FFFFFFC, s14  }
0x2f: {  	s11 =	smov.u32 s16;
	_ =	swait.ge @!p1 [sflag:s17], s14;
	s19 =	ssub.s32 @!p1 $0x0, s14  }
0x30: {  	s14 =	smov.u32 s10;
	s13 =	sadd.s32 $0x1, s13;
	[sflag:s17] =	ssyncset.done @!p1 $0x0  }
0x31: {  	s10 =	smov.u32 s12;
	s12 =	smov.u32 s18;
	[sflag:s17] =	ssyncadd.s32 @!p1 s19  }
.LBB1_1:
0x32: {  	p1 =	sge.u32 s13, s5  }
0x33: {  	s16 =	sand.u32 @!p1 $0x1FFFFFF, s11  }
0x34: {  	s17 =	smulhi.u32 @!p1 $0x147AE15, s16;
	_ =	sdelay $0x1  }
0x35: {  	s17 =	smul.u32 @!p1 $0xC8, s17  }
0x36: {  	s18 =	sxor.u32 @!p1 $0xFFFFFFFF, s13;
	s19 =	smul.u32 @!p1 $0xC80, s12  }
0x37: {  	s31 =	sadd.s32 $0xFFFFFFFF, s13;
	s18 =	sshll.u32 @!p1 s18, $0xE;
	s16 =	ssub.s32 @!p1 s16, s17  }
0x38: {  	s17 =	sand.u32 @!p1 $0x4000, s18;
	s18 =	sadd.s32 @!p1 s6, s19;
	s16 =	sshll.u32 @!p1 s16, $0x4  }
0x39: {  	s19 =	simm.s32 @!p1 $0x6400;
	s16 =	sadd.s32 @!p1 s16, s18;
	s18 =	simm.s32 @!p1 $0x80  }
0x3a: {  	[tilespmem:s17], [sflag:$0x1] =	stream.strided.gather @!p1 [hbm4b:s16+s18], $0x4000, s19, s18, $0x38;
	[tilespmem:$0x10100] =	vst v63  }
0x3b: {  	p1 =	sge.u32 s31, s5  }
.Ltmp2:
0x3c: {  	_ = 	snop;
	(pc) =	sbr.rel @p1 .LBB1_5-.Ltmp2, $1  }
0x3d: {  	_ =	sdelay $0x3  }
0x3e: {  	s16 =	simm.s32 $0x1  }
0x3f: {  	_ =	swait.ge [sflag:s4], $0x4000;
	s16 =	simm.s32 @!p0 $0x0  }
0x40: {  	[sflag:s4] =	ssyncset.done $0x0;
	s17 =	sshll.u32 s16, $0xE  }
0x41: {  	[sflag:s4] =	ssyncadd.s32 $0xFFFFC000;
	s17 =	sor.u32 $0x40, s17  }
0x42: {  	s16 =	smul.u32 $0x10200, s16;
	v0 =	vld [tilespmem:s17+$0x30]  }
0x43: {  	v1 =	vld [tilespmem:s17+$0xFFFFFFD0]  }
0x44: {  	s16 =	sshrl.u32 s16, $0x2;
	v5 =	vld [tilespmem:s17+$0xFFFFFFE0]  }
0x45: {  	v6 =	vld [tilespmem:s17+$0xFFFFFFF0];
	s19 =	sor.u32 $0x8000, s16  }
0x46: {  	s31 =	sand.u32 $0x1, s13;
	v4 =	vld [tilespmem:s17+$0x0];
	s18 =	sadd.s32 $0x0, s19  }
0x47: {  	v3 =	vld [tilespmem:s17+$0x10];
	s16 =	smul.u32 $0x10200, s31;
	[tilespmem:s18+$0x3870 ss:$0x81] =	vst.msk $0xffff, v0  }
0x48: {  	v2 =	vld [tilespmem:s17+$0x20];
	[tilespmem:s18+$0x810 ss:$0x81] =	vst.msk $0xffff, v1  }
0x49: {  	s16 =	sshrl.u32 s16, $0x2;
	v1 =	vld [tilespmem:s17+$0xFFFFFFC0];
	[tilespmem:s18+$0x1020 ss:$0x81] =	vst.msk $0xffff, v5;
	s17 =	sadd.s32 $0x80, s17  }
0x4a: {  	s20 =	simm.s32 $0x4;
	s21 =	simm.s32 $0x8;
	s16 =	sor.u32 $0x8000, s16;
	[tilespmem:s18+$0x1830 ss:$0x81] =	vst.msk $0xffff, v6;
	v0 =	vld [tilespmem:s17+$0x30]  }
.LBB1_3:
0x4b: {  	p1 =	sne.s32 s21, $0x1FC;
	v5 =	vld [tilespmem:s17+$0xFFFFFFD0];
	[tilespmem:s18+$0x2040 ss:$0x81] =	vst.msk $0xffff, v4  }
0x4c: {  	v6 =	vld [tilespmem:s17+$0xFFFFFFE0];
	[tilespmem:s18+$0x2850 ss:$0x81] =	vst.msk $0xffff, v3  }
0x4d: {  	s22 =	sshra.s32 s20, $0x2;
	s20 =	smov.u32 s21;
	v7 =	vld [tilespmem:s17+$0xFFFFFFF0];
	[tilespmem:s18+$0x3060 ss:$0x81] =	vst.msk $0xffff, v2  }
.Ltmp3:
0x4e: {  	v4 =	vld [tilespmem:s17+$0x0];
	[tilespmem:s18+$0x0 ss:$0x81] =	vst.msk $0xffff, v1;
	s18 =	sadd.s32 s22, s19;
	(pc) =	sbr.rel @p1 .LBB1_3-.Ltmp3, $4  }
0x4f: {  	v3 =	vld [tilespmem:s17+$0x10];
	[tilespmem:s18+$0x3870 ss:$0x81] =	vst.msk $0xffff, v0  }
0x50: {  	[tilespmem:s18+$0x810 ss:$0x81] =	vst.msk $0xffff, v5;
	v2 =	vld [tilespmem:s17+$0x20]  }
0x51: {  	v1 =	vld [tilespmem:s17+$0xFFFFFFC0];
	[tilespmem:s18+$0x1020 ss:$0x81] =	vst.msk $0xffff, v6;
	s17 =	sadd.s32 $0x80, s17  }
0x52: {  	s21 =	sadd.s32 $0x4, s21;
	v0 =	vld [tilespmem:s17+$0x30];
	[tilespmem:s18+$0x1830 ss:$0x81] =	vst.msk $0xffff, v7  }
.Ltmp4:
0x53: {  	_ = 	snop;
	(pc) =	sbr.rel .LBB1_4-.Ltmp4, $1  }
0x54: {  	_ =	sdelay $0x3  }
.LBB1_6:
0x55: {  	_ =	sfence.sel $0x180000  }
0x56: {  	s2 =	simm.s32 $0x1;
	[bflag:$0x0] =	sbarrier.arrive $0xFFFF  }
0x57: {  	s31 =	simm.s32 $0x2;
	[sflag:s2] =	ssyncpa.u1 $0x1  }
0x58: {  	[sflag:s31] =	ssyncpa.u1 $0x1  }
0x59: {  	p0 =	sne.s32 s0, $0x0;
	_ =	strace $0x9000004A  }
0x5a: {  	s0 =	sadd.s32 @!p0 $0x100000, s1;
	[bflag:$0x2] =	sbarrier.arrive $0xFFFF  }
0x5b: {  	[sflag:s0] =	ssyncadd.tile.s32 @!p0 $0x1;
	_ =	shalt  }
.Lfunc_end1:
_tile_overlayer_lowered:
.L_overlay_start_2:
0x5c: {  	(tag) =	ssettag $0x2  }
0x5d: {  	s0 =	rddreg [dreg:$0x0];
	s2 =	stileid.u32  }
0x5e: {  	s1 =	rddreg [dreg:$0x1];
	p0 =	sne.s32 s2, $0x0  }
0x5f: {  	s3 =	rddreg [dreg:$0x2];
	[bflag:$0x3] =	sbarrier.arrive $0xFFFF;
	s2 =	simm.s32 @!p0 $0x1C01  }
0x60: {  	[timem:s3], [sflag:s2] =	dma.local @!p0 [hbm:s0], s1  }
0x61: {  	s0 =	simm.s32 @!p0 $0x1  }
0x62: {  	_ =	swait.ge @!p0 [sflag:s0], s1  }
0x63: {  	s1 =	ssub.s32 @!p0 $0x0, s1;
	[sflag:s0] =	ssyncset.done @!p0 $0x0  }
0x64: {  	[sflag:s0] =	ssyncadd.s32 @!p0 s1  }
0x65: {  	[bflag:$0x3] =	sbarrier.arrive $0xFFFF  }
0x66: {  	_ =	shalt  }

</sc_bundles>
